<compile_context>
chip_gen: v7x
topology: tpu7x:2x2x1
jax: 0.10.2.dev20260603
libtpu: 0.0.44.dev20260713+nightly
codegen_flags: <defaults>
</compile_context>

<pallas_src>
import functools

import jax
import jax.numpy as jnp
from jax import lax
from jax.experimental import pallas as pl
from jax.experimental.pallas import tpu as pltpu
from jax.experimental.pallas import tpu_sc as plsc

_L = 16


def _sc_segment_max(x, src, dst, n_nodes):
    N, D = x.shape
    E = src.shape[0]
    NC, NS = 2, 16
    NW = NC * NS
    NPW = -(-n_nodes // NW)
    NPW = NPW + (-NPW) % 8
    NPAD = NW * NPW
    ROWS = NPW + 8
    DUMMY = ROWS - 1
    C = 16000
    assert E % C == 0 and C % _L == 0
    NCHUNK = E // C
    G = 16
    NB = 1
    QD = D // _L

    mesh = plsc.VectorSubcoreMesh(core_axis_name="c", subcore_axis_name="s")

    @functools.partial(
        pl.kernel,
        out_type=jax.ShapeDtypeStruct((NPAD, D), jnp.float32),
        mesh=mesh,
        compiler_params=pltpu.CompilerParams(needs_layout_passes=False),
        scratch_types=[
            pltpu.VMEM((ROWS, D), jnp.float32),
            pltpu.VMEM((C,), jnp.int32),
            pltpu.VMEM((C,), jnp.int32),
            pltpu.VMEM((C + 5 * G,), jnp.int32),
            pltpu.VMEM((C + 5 * G,), jnp.int32),
            [pltpu.VMEM((G, D), jnp.float32)] * NB,
            [pltpu.SemaphoreType.DMA] * NB,
        ],
    )
    def sc_agg(src_hbm, dst_hbm, x_hbm, out_hbm,
               agg_v, srcc_v, dstc_v, csrc_v, cdl_v, rows_bufs, sems):
        wid = lax.axis_index("s") * NC + lax.axis_index("c")
        lo = wid * NPW
        neg = jnp.full((_L,), -jnp.inf, jnp.float32)
        zero16 = jnp.zeros((_L,), jnp.int32)
        dummy16 = jnp.full((_L,), DUMMY, jnp.int32)

        def init_body(r, _):
            for q in range(QD):
                agg_v[r, pl.ds(q * _L, _L)] = neg
            return 0
        lax.fori_loop(0, ROWS, init_body, 0)

        def zinit_body(r, _):
            csrc_v[pl.ds(r * _L, _L)] = zero16
            return 0
        lax.fori_loop(0, (C + 5 * G) // _L, zinit_body, 0)

        def fire(b, buf, sem):
            return pltpu.async_copy(
                x_hbm.at[csrc_v.at[pl.ds(b * G, G)]], buf, sem)

        def process(buf, b):
            def edge_body(i, _):
                dl = cdl_v[pl.ds(b * G + i, _L)][0]
                for q in range(QD):
                    sl = pl.ds(q * _L, _L)
                    agg_v[dl, sl] = jnp.maximum(agg_v[dl, sl], buf[i, sl])
                return 0
            lax.fori_loop(0, G, edge_body, 0)

        def chunk_body(k, _):
            base = k * C
            pltpu.sync_copy(src_hbm.at[pl.ds(base, C)], srcc_v)
            pltpu.sync_copy(dst_hbm.at[pl.ds(base, C)], dstc_v)

            def scan_body(j, cur):
                d16 = dstc_v[pl.ds(j * _L, _L)]
                s16 = srcc_v[pl.ds(j * _L, _L)]
                m = (d16 >= lo) & (d16 < lo + NPW)
                mi = m.astype(jnp.int32)
                incl = plsc.cumsum(mi)
                pos = cur + (incl - mi)
                lane = lax.iota(jnp.int32, _L)
                posu = jnp.where(m, pos, C + 4 * G + lane)
                plsc.store_scatter(csrc_v, [posu], s16)
                plsc.store_scatter(cdl_v, [posu], d16 - lo)
                return cur + incl[_L - 1]
            cnt = lax.fori_loop(0, C // _L, scan_body, 0)

            for t in range(NB * G // _L):
                csrc_v[pl.ds(cnt + t * _L, _L)] = zero16
                cdl_v[pl.ds(cnt + t * _L, _L)] = dummy16
            nbq = (cnt + NB * G - 1) // (NB * G)

            def quad_body(i, _):
                cps = [fire(NB * i + b, rows_bufs[b], sems[b])
                       for b in range(NB)]
                for b in range(NB):
                    cps[b].wait()
                    process(rows_bufs[b], NB * i + b)
                return 0
            lax.fori_loop(0, nbq, quad_body, 0)
            return 0
        lax.fori_loop(0, NCHUNK, chunk_body, 0)

        pltpu.sync_copy(agg_v.at[pl.ds(0, NPW)], out_hbm.at[pl.ds(lo, NPW)])

    return sc_agg(src, dst, x)


def _tc_dense(x, agg, A, B, bias, gamma, beta):
    N, D = x.shape

    def body(x_ref, agg_ref, a_ref, b_ref, bias_ref, g_ref, be_ref, o_ref):
        xv = x_ref[...]
        ag = agg_ref[...]
        ag = jnp.where(ag == -jnp.inf, 0.0, ag)
        U = (jnp.dot(xv, a_ref[...], preferred_element_type=jnp.float32)
             + jnp.dot(ag, b_ref[...], preferred_element_type=jnp.float32)
             + bias_ref[...])
        mu = jnp.mean(U, axis=0, keepdims=True)
        var = jnp.mean((U - mu) ** 2, axis=0, keepdims=True)
        T = (U - mu) * lax.rsqrt(var + 1e-5) * g_ref[...] + be_ref[...]
        o_ref[...] = T[:, :D] + T[:, D:2 * D] + T[:, 2 * D:]

    return pl.pallas_call(
        body,
        out_shape=jax.ShapeDtypeStruct((N, D), jnp.float32),
    )(x, agg, A, B, bias, gamma, beta)


def kernel(x, edge_index, sage_Wr, sage_Wn, sage_b, gin_W, gin_b, gin_eps,
           lin_W, lin_b, gamma_sage, beta_sage, gamma_gin, beta_gin,
           gamma_lin, beta_lin, alpha):
    N, D = x.shape
    src = edge_index[0]
    dst = edge_index[1]

    agg_pad = _sc_segment_max(x, src, dst, N)
    agg = agg_pad[:N]

    w = jax.nn.softmax(alpha)
    A = jnp.concatenate([sage_Wr, (1.0 + gin_eps) * gin_W, lin_W], axis=1)
    B = jnp.concatenate([sage_Wn, gin_W, jnp.zeros_like(lin_W)], axis=1)
    bias = jnp.concatenate([sage_b, gin_b, lin_b])[None, :]
    gamma = jnp.concatenate(
        [w[0] * gamma_sage, w[1] * gamma_gin, w[2] * gamma_lin])[None, :]
    beta = jnp.concatenate(
        [w[0] * beta_sage, w[1] * beta_gin, w[2] * beta_lin])[None, :]

    return _tc_dense(x, agg, A, B, bias, gamma, beta)

# --- scband reference (transcript-rebuilt; emitter-appended) ---
"""Pipeline reference for scband-conv-50096498541115 (READ-ONLY COPY).

The authoritative reference and input builder live on the scoring server;
editing this copy changes nothing except your own understanding.
"""

import jax, jax.numpy as jnp
import numpy as np

N = 10000
E = 320000
D = 128

def _mp_max(x, src, dst):
    msg = x[src]
    agg = jax.ops.segment_max(msg, dst, num_segments=N)
    deg = jax.ops.segment_sum(jnp.ones((src.shape[0],), dtype=x.dtype), dst, num_segments=N)
    return jnp.where((deg > 0)[:, None], agg, 0.0)

def _bn(t, gamma, beta):
    mu = jnp.mean(t, axis=0, keepdims=True)
    var = jnp.var(t, axis=0, keepdims=True)
    return (t - mu) / jnp.sqrt(var + 1e-5) * gamma + beta

def setup_inputs(seed: int = 0):
    key = jax.random.key(seed)
    ks = jax.random.split(key, 17)
    s = 1.0 / np.sqrt(D)
    inp = {}
    inp['x'] = jax.random.normal(ks[0], (N, D), dtype=jnp.float32)
    inp['edge_index'] = jax.random.randint(ks[1], (2, E), 0, N, dtype=jnp.int32)
    inp['sage_Wr'] = jax.random.normal(ks[2], (D, D), dtype=jnp.float32) * s
    inp['sage_Wn'] = jax.random.normal(ks[3], (D, D), dtype=jnp.float32) * s
    inp['sage_b'] = jnp.zeros((D,), dtype=jnp.float32)
    inp['gin_W'] = jax.random.normal(ks[4], (D, D), dtype=jnp.float32) * s
    inp['gin_b'] = jnp.zeros((D,), dtype=jnp.float32)
    inp['gin_eps'] = jnp.zeros((), dtype=jnp.float32)
    inp['lin_W'] = jax.random.normal(ks[5], (D, D), dtype=jnp.float32) * s
    inp['lin_b'] = jnp.zeros((D,), dtype=jnp.float32)
    inp['gamma_sage'] = jnp.ones((D,), dtype=jnp.float32)
    inp['beta_sage'] = jnp.zeros((D,), dtype=jnp.float32)
    inp['gamma_gin'] = jnp.ones((D,), dtype=jnp.float32)
    inp['beta_gin'] = jnp.zeros((D,), dtype=jnp.float32)
    inp['gamma_lin'] = jnp.ones((D,), dtype=jnp.float32)
    inp['beta_lin'] = jnp.zeros((D,), dtype=jnp.float32)
    inp['alpha'] = jax.random.normal(ks[6], (3,), dtype=jnp.float32) * 0.001
    return inp

def reference(x, edge_index, sage_Wr, sage_Wn, sage_b, gin_W, gin_b, gin_eps, lin_W, lin_b, gamma_sage, beta_sage, gamma_gin, beta_gin, gamma_lin, beta_lin, alpha):
    src = edge_index[0]
    dst = edge_index[1]
    agg = _mp_max(x, src, dst)
    t_sage = _bn(x @ sage_Wr + agg @ sage_Wn + sage_b, gamma_sage, beta_sage)
    t_gin = _bn(((1.0 + gin_eps) * x + agg) @ gin_W + gin_b, gamma_gin, beta_gin)
    t_lin = _bn(x @ lin_W + lin_b, gamma_lin, beta_lin)
    res = jnp.stack([t_sage, t_gin, t_lin], axis=0)
    w = jax.nn.softmax(alpha, axis=-1).reshape(-1, 1, 1)
    return jnp.sum(res * w, axis=0)

if __name__ == "__main__":
    import jax
    _d = setup_inputs()
    print(jax.jit(kernel)(*tuple(_d.values())))

</pallas_src>

<mosaic_0001>
#map = affine_map<(d0, d1) -> (0)>
#map1 = affine_map<(d0, d1) -> (0, 0)>
module attributes {stable_mosaic.version = 14 : i64} {
  func.func @sc_agg(%arg0: i32, %arg1: i32, %arg2: memref<320000xi32, #tpu.memory_space<hbm>>, %arg3: memref<320000xi32, #tpu.memory_space<hbm>>, %arg4: memref<10000x128xf32, #tpu.memory_space<hbm>>, %arg5: memref<10240x128xf32, #tpu.memory_space<hbm>>, %arg6: memref<328x128xf32, #tpu.memory_space<vmem>>, %arg7: memref<16000xi32, #tpu.memory_space<vmem>>, %arg8: memref<16000xi32, #tpu.memory_space<vmem>>, %arg9: memref<16080xi32, #tpu.memory_space<vmem>>, %arg10: memref<16080xi32, #tpu.memory_space<vmem>>, %arg11: memref<16x128xf32, #tpu.memory_space<vmem>>, %arg12: memref<!tpu.dma_semaphore, #tpu.memory_space<semaphore_mem>>) attributes {dimension_semantics = [#tpu.dimension_semantics<core_parallel>, #tpu.dimension_semantics<subcore_parallel>], iteration_bounds = array<i64: 2, 16>, scalar_prefetch = 0 : i64, scratch_operands = 7 : i64, tpu.core_type = #tpu.core_type<sc_vector_subcore>, window_params = [{transform_indices = #map}, {transform_indices = #map}, {transform_indices = #map1}, {transform_indices = #map1}]} {
    %mul3A = arith.constant 2 : i32
    %mul3A_0 = arith.muli %arg1, %mul3A : i32
    %add3A = arith.addi %mul3A_0, %arg0 : i32
    %mul3A_1 = arith.constant 320 : i32
    %mul3A_2 = arith.muli %add3A, %mul3A_1 : i32
    %broadcast_in_dim3A = arith.constant 0xFF800000 : f32
    %broadcast_in_dim3A_3 = vector.broadcast %broadcast_in_dim3A : f32 to vector<16xf32>
    %broadcast_in_dim3A_4 = arith.constant 0 : i32
    %broadcast_in_dim3A_5 = vector.broadcast %broadcast_in_dim3A_4 : i32 to vector<16xi32>
    %broadcast_in_dim3A_6 = arith.constant 327 : i32
    %broadcast_in_dim3A_7 = vector.broadcast %broadcast_in_dim3A_6 : i32 to vector<16xi32>
    %scan3A = arith.constant 0 : i32
    %scan3A_8 = arith.constant 0 : i32
    %scan3A_9 = arith.constant 328 : i32
    %scan3A_10 = arith.addi %scan3A_8, %scan3A_9 : i32
    %scan3A_11 = arith.constant 1 : i32
    %scan3A_12 = scf.for %scan3A_28 = %scan3A_8 to %scan3A_10 step %scan3A_11 iter_args(%scan3A_29 = %scan3A) -> (i32)  : i32 {
      %swap3A = arith.index_cast %scan3A_28 : i32 to index
      %swap3A_30 = arith.constant 0 : index
      %swap3A_31 = tpu.vector_load %arg6[%swap3A, %swap3A_30] {strides = array<i32>} : memref<328x128xf32, #tpu.memory_space<vmem>>, vector<16xf32>,
      tpu.vector_store %arg6[%swap3A, %swap3A_30], %broadcast_in_dim3A_3 {strides = array<i32>} : memref<328x128xf32, #tpu.memory_space<vmem>>, vector<16xf32>,
      %swap3A_32 = arith.index_cast %scan3A_28 : i32 to index
      %swap3A_33 = arith.constant 16 : index
      %swap3A_34 = tpu.vector_load %arg6[%swap3A_32, %swap3A_33] {strides = array<i32>} : memref<328x128xf32, #tpu.memory_space<vmem>>, vector<16xf32>,
      tpu.vector_store %arg6[%swap3A_32, %swap3A_33], %broadcast_in_dim3A_3 {strides = array<i32>} : memref<328x128xf32, #tpu.memory_space<vmem>>, vector<16xf32>,
      %swap3A_35 = arith.index_cast %scan3A_28 : i32 to index
      %swap3A_36 = arith.constant 32 : index
      %swap3A_37 = tpu.vector_load %arg6[%swap3A_35, %swap3A_36] {strides = array<i32>} : memref<328x128xf32, #tpu.memory_space<vmem>>, vector<16xf32>,
      tpu.vector_store %arg6[%swap3A_35, %swap3A_36], %broadcast_in_dim3A_3 {strides = array<i32>} : memref<328x128xf32, #tpu.memory_space<vmem>>, vector<16xf32>,
      %swap3A_38 = arith.index_cast %scan3A_28 : i32 to index
      %swap3A_39 = arith.constant 48 : index
      %swap3A_40 = tpu.vector_load %arg6[%swap3A_38, %swap3A_39] {strides = array<i32>} : memref<328x128xf32, #tpu.memory_space<vmem>>, vector<16xf32>,
      tpu.vector_store %arg6[%swap3A_38, %swap3A_39], %broadcast_in_dim3A_3 {strides = array<i32>} : memref<328x128xf32, #tpu.memory_space<vmem>>, vector<16xf32>,
      %swap3A_41 = arith.index_cast %scan3A_28 : i32 to index
      %swap3A_42 = arith.constant 64 : index
      %swap3A_43 = tpu.vector_load %arg6[%swap3A_41, %swap3A_42] {strides = array<i32>} : memref<328x128xf32, #tpu.memory_space<vmem>>, vector<16xf32>,
      tpu.vector_store %arg6[%swap3A_41, %swap3A_42], %broadcast_in_dim3A_3 {strides = array<i32>} : memref<328x128xf32, #tpu.memory_space<vmem>>, vector<16xf32>,
      %swap3A_44 = arith.index_cast %scan3A_28 : i32 to index
      %swap3A_45 = arith.constant 80 : index
      %swap3A_46 = tpu.vector_load %arg6[%swap3A_44, %swap3A_45] {strides = array<i32>} : memref<328x128xf32, #tpu.memory_space<vmem>>, vector<16xf32>,
      tpu.vector_store %arg6[%swap3A_44, %swap3A_45], %broadcast_in_dim3A_3 {strides = array<i32>} : memref<328x128xf32, #tpu.memory_space<vmem>>, vector<16xf32>,
      %swap3A_47 = arith.index_cast %scan3A_28 : i32 to index
      %swap3A_48 = arith.constant 96 : index
      %swap3A_49 = tpu.vector_load %arg6[%swap3A_47, %swap3A_48] {strides = array<i32>} : memref<328x128xf32, #tpu.memory_space<vmem>>, vector<16xf32>,
      tpu.vector_store %arg6[%swap3A_47, %swap3A_48], %broadcast_in_dim3A_3 {strides = array<i32>} : memref<328x128xf32, #tpu.memory_space<vmem>>, vector<16xf32>,
      %swap3A_50 = arith.index_cast %scan3A_28 : i32 to index
      %swap3A_51 = arith.constant 112 : index
      %swap3A_52 = tpu.vector_load %arg6[%swap3A_50, %swap3A_51] {strides = array<i32>} : memref<328x128xf32, #tpu.memory_space<vmem>>, vector<16xf32>,
      tpu.vector_store %arg6[%swap3A_50, %swap3A_51], %broadcast_in_dim3A_3 {strides = array<i32>} : memref<328x128xf32, #tpu.memory_space<vmem>>, vector<16xf32>,
      %scan3A_53 = arith.constant 0 : i32
      scf.yield %scan3A_53 : i32
    }
    %scan3A_13 = arith.constant 328 : i32
    %scan3A_14 = arith.constant 0 : i32
    %scan3A_15 = arith.constant 0 : i32
    %scan3A_16 = arith.constant 1005 : i32
    %scan3A_17 = arith.addi %scan3A_15, %scan3A_16 : i32
    %scan3A_18 = arith.constant 1 : i32
    %scan3A_19 = scf.for %scan3A_28 = %scan3A_15 to %scan3A_17 step %scan3A_18 iter_args(%scan3A_29 = %scan3A_14) -> (i32)  : i32 {
      %mul3A_30 = arith.constant 16 : i32
      %mul3A_31 = arith.muli %scan3A_28, %mul3A_30 : i32
      %swap3A = arith.index_cast %mul3A_31 : i32 to index
      %swap3A_32 = tpu.vector_load %arg9[%swap3A] {strides = array<i32>} : memref<16080xi32, #tpu.memory_space<vmem>>, vector<16xi32>,
      tpu.vector_store %arg9[%swap3A], %broadcast_in_dim3A_5 {strides = array<i32>} : memref<16080xi32, #tpu.memory_space<vmem>>, vector<16xi32>,
      %scan3A_33 = arith.constant 0 : i32
      scf.yield %scan3A_33 : i32
    }
    %scan3A_20 = arith.constant 1005 : i32
    %scan3A_21 = arith.constant 0 : i32
    %scan3A_22 = arith.constant 0 : i32
    %scan3A_23 = arith.constant 20 : i32
    %scan3A_24 = arith.addi %scan3A_22, %scan3A_23 : i32
    %scan3A_25 = arith.constant 1 : i32
    %scan3A_26 = scf.for %scan3A_28 = %scan3A_22 to %scan3A_24 step %scan3A_25 iter_args(%scan3A_29 = %scan3A_21) -> (i32)  : i32 {
      %mul3A_30 = arith.constant 16000 : i32
      %mul3A_31 = arith.muli %scan3A_28, %mul3A_30 : i32
      "tpu.region"() ({
        %run_scoped3A = tpu.sem_alloc : memref<!tpu.dma_semaphore, #tpu.memory_space<semaphore_mem>>
        %dma_start3A = tpu.memref_slice %arg2[%mul3A_31] : memref<320000xi32, #tpu.memory_space<hbm>> -> memref<16000xi32, #tpu.memory_space<hbm>>
        %dma_start3A_78 = tpu.memref_slice %arg2[%mul3A_31] : memref<320000xi32, #tpu.memory_space<hbm>> -> memref<16000xi32, #tpu.memory_space<hbm>>
        tpu.enqueue_dma source(%dma_start3A_78 : memref<16000xi32, #tpu.memory_space<hbm>>) target(%arg7 : memref<16000xi32, #tpu.memory_space<vmem>>) target_semaphore(%run_scoped3A : memref<!tpu.dma_semaphore, #tpu.memory_space<semaphore_mem>>)
        %dma_wait3A = tpu.memref_slice %arg2[%mul3A_31] : memref<320000xi32, #tpu.memory_space<hbm>> -> memref<16000xi32, #tpu.memory_space<hbm>>
        %dma_wait3A_79 = tpu.memref_slice %arg2[%mul3A_31] : memref<320000xi32, #tpu.memory_space<hbm>> -> memref<16000xi32, #tpu.memory_space<hbm>>
        tpu.wait_dma2 semaphore(%run_scoped3A : memref<!tpu.dma_semaphore, #tpu.memory_space<semaphore_mem>>) src(%dma_wait3A_79 : memref<16000xi32, #tpu.memory_space<hbm>>) dst(%arg7 : memref<16000xi32, #tpu.memory_space<vmem>>)
        tpu.yield
      }) : () -> ()
      "tpu.region"() ({
        %run_scoped3A = tpu.sem_alloc : memref<!tpu.dma_semaphore, #tpu.memory_space<semaphore_mem>>
        %dma_start3A = tpu.memref_slice %arg3[%mul3A_31] : memref<320000xi32, #tpu.memory_space<hbm>> -> memref<16000xi32, #tpu.memory_space<hbm>>
        %dma_start3A_78 = tpu.memref_slice %arg3[%mul3A_31] : memref<320000xi32, #tpu.memory_space<hbm>> -> memref<16000xi32, #tpu.memory_space<hbm>>
        tpu.enqueue_dma source(%dma_start3A_78 : memref<16000xi32, #tpu.memory_space<hbm>>) target(%arg8 : memref<16000xi32, #tpu.memory_space<vmem>>) target_semaphore(%run_scoped3A : memref<!tpu.dma_semaphore, #tpu.memory_space<semaphore_mem>>)
        %dma_wait3A = tpu.memref_slice %arg3[%mul3A_31] : memref<320000xi32, #tpu.memory_space<hbm>> -> memref<16000xi32, #tpu.memory_space<hbm>>
        %dma_wait3A_79 = tpu.memref_slice %arg3[%mul3A_31] : memref<320000xi32, #tpu.memory_space<hbm>> -> memref<16000xi32, #tpu.memory_space<hbm>>
        tpu.wait_dma2 semaphore(%run_scoped3A : memref<!tpu.dma_semaphore, #tpu.memory_space<semaphore_mem>>) src(%dma_wait3A_79 : memref<16000xi32, #tpu.memory_space<hbm>>) dst(%arg8 : memref<16000xi32, #tpu.memory_space<vmem>>)
        tpu.yield
      }) : () -> ()
      %scan3A_32 = arith.constant 0 : i32
      %scan3A_33 = arith.constant 0 : i32
      %scan3A_34 = arith.constant 1000 : i32
      %scan3A_35 = arith.addi %scan3A_33, %scan3A_34 : i32
      %scan3A_36 = arith.constant 1 : i32
      %scan3A_37 = scf.for %scan3A_78 = %scan3A_33 to %scan3A_35 step %scan3A_36 iter_args(%scan3A_79 = %scan3A_32) -> (i32)  : i32 {
        %mul3A_80 = arith.constant 16 : i32
        %mul3A_81 = arith.muli %scan3A_78, %mul3A_80 : i32
        %get3A = arith.index_cast %mul3A_81 : i32 to index
        %get3A_82 = tpu.vector_load %arg8[%get3A] {strides = array<i32>} : memref<16000xi32, #tpu.memory_space<vmem>>, vector<16xi32>,
        %mul3A_83 = arith.constant 16 : i32
        %mul3A_84 = arith.muli %scan3A_78, %mul3A_83 : i32
        %get3A_85 = arith.index_cast %mul3A_84 : i32 to index
        %get3A_86 = tpu.vector_load %arg7[%get3A_85] {strides = array<i32>} : memref<16000xi32, #tpu.memory_space<vmem>>, vector<16xi32>,
        %ge3A = vector.broadcast %mul3A_2 : i32 to vector<16xi32>
        %ge3A_87 = arith.cmpi sge, %get3A_82, %ge3A : vector<16xi32>
        %add3A_88 = arith.constant 320 : i32
        %add3A_89 = arith.addi %mul3A_2, %add3A_88 : i32
        %lt3A = vector.broadcast %add3A_89 : i32 to vector<16xi32>
        %lt3A_90 = arith.cmpi slt, %get3A_82, %lt3A : vector<16xi32>
        %and3A_91 = arith.andi %ge3A_87, %lt3A_90 : vector<16xi1>
        %convert_element_type3A = arith.extui %and3A_91 : vector<16xi1> to vector<16xi32>
        %broadcast_in_dim3A_92 = arith.constant true
        %broadcast_in_dim3A_93 = vector.broadcast %broadcast_in_dim3A_92 : i1 to vector<16xi1>
        %masked_cumsum3A = tpu.scan <sum>, %convert_element_type3A masked %broadcast_in_dim3A_93 : vector<16xi32>, vector<16xi1> -> vector<16xi32>
        %sub3A_94 = arith.subi %masked_cumsum3A, %convert_element_type3A : vector<16xi32>
        %add3A_95 = vector.broadcast %scan3A_79 : i32 to vector<16xi32>
        %add3A_96 = arith.addi %add3A_95, %sub3A_94 : vector<16xi32>
        %iota3A = tpu.iota {dimensions = array<i32: 0>} : vector<16xi32>
        %add3A_97 = arith.constant 16064 : i32
        %add3A_98 = vector.broadcast %add3A_97 : i32 to vector<16xi32>
        %add3A_99 = arith.addi %add3A_98, %iota3A : vector<16xi32>
        %select_n3A_100 = arith.select %and3A_91, %add3A_96, %add3A_99 : vector<16xi1>, vector<16xi32>
        tpu.vector_store_idx %arg9[%select_n3A_100], %get3A_86 : memref<16080xi32, #tpu.memory_space<vmem>>[vector<16xi32>], vector<16xi32>,
        %sub3A_101 = vector.broadcast %mul3A_2 : i32 to vector<16xi32>
        %sub3A_102 = arith.subi %get3A_82, %sub3A_101 : vector<16xi32>
        tpu.vector_store_idx %arg10[%select_n3A_100], %sub3A_102 : memref<16080xi32, #tpu.memory_space<vmem>>[vector<16xi32>], vector<16xi32>,
        %slice3A = vector.extract_strided_slice %masked_cumsum3A {offsets = [15], sizes = [1], strides = [1]} : vector<16xi32> to vector<1xi32>
        %squeeze3A = vector.extract %slice3A[0] : i32 from vector<1xi32>
        %add3A_103 = arith.addi %scan3A_79, %squeeze3A : i32
        scf.yield %add3A_103 : i32
      }
      %scan3A_38 = arith.constant 1000 : i32
      %add3A_39 = arith.constant 0 : i32
      %add3A_40 = arith.addi %scan3A_37, %add3A_39 : i32
      %swap3A = arith.index_cast %add3A_40 : i32 to index
      %swap3A_41 = tpu.vector_load %arg9[%swap3A] {strides = array<i32>} : memref<16080xi32, #tpu.memory_space<vmem>>, vector<16xi32>,
      tpu.vector_store %arg9[%swap3A], %broadcast_in_dim3A_5 {strides = array<i32>} : memref<16080xi32, #tpu.memory_space<vmem>>, vector<16xi32>,
      %add3A_42 = arith.constant 0 : i32
      %add3A_43 = arith.addi %scan3A_37, %add3A_42 : i32
      %swap3A_44 = arith.index_cast %add3A_43 : i32 to index
      %swap3A_45 = tpu.vector_load %arg10[%swap3A_44] {strides = array<i32>} : memref<16080xi32, #tpu.memory_space<vmem>>, vector<16xi32>,
      tpu.vector_store %arg10[%swap3A_44], %broadcast_in_dim3A_7 {strides = array<i32>} : memref<16080xi32, #tpu.memory_space<vmem>>, vector<16xi32>,
      %add3A_46 = arith.constant 16 : i32
      %add3A_47 = arith.addi %scan3A_37, %add3A_46 : i32
      %sub3A = arith.constant 1 : i32
      %sub3A_48 = arith.subi %add3A_47, %sub3A : i32
      %jit3A = arith.constant 16 : i32
      %div3A = arith.divsi %sub3A_48, %jit3A : i32
      %sign3A = arith.constant 0 : i32
      %sign3A_49 = arith.cmpi sgt, %sub3A_48, %sign3A : i32
      %sign3A_50 = arith.extui %sign3A_49 : i1 to i32
      %sign3A_51 = arith.constant 0 : i32
      %sign3A_52 = arith.cmpi slt, %sub3A_48, %sign3A_51 : i32
      %sign3A_53 = arith.extui %sign3A_52 : i1 to i32
      %sign3A_54 = arith.subi %sign3A_50, %sign3A_53 : i32
      %sign3A_55 = arith.constant 0 : i32
      %sign3A_56 = arith.cmpi sgt, %jit3A, %sign3A_55 : i32
      %sign3A_57 = arith.extui %sign3A_56 : i1 to i32
      %sign3A_58 = arith.constant 0 : i32
      %sign3A_59 = arith.cmpi slt, %jit3A, %sign3A_58 : i32
      %sign3A_60 = arith.extui %sign3A_59 : i1 to i32
      %sign3A_61 = arith.subi %sign3A_57, %sign3A_60 : i32
      %ne3A = arith.cmpi ne, %sign3A_54, %sign3A_61 : i32
      %rem3A = arith.remsi %sub3A_48, %jit3A : i32
      %ne3A_62 = arith.constant 0 : i32
      %ne3A_63 = arith.cmpi ne, %rem3A, %ne3A_62 : i32
      %and3A = arith.andi %ne3A, %ne3A_63 : i1
      %sub3A_64 = arith.constant 1 : i32
      %sub3A_65 = arith.subi %div3A, %sub3A_64 : i32
      %select_n3A = arith.select %and3A, %sub3A_65, %div3A : i32
      %while3A = arith.constant 0 : i32
      %while3A_66 = arith.constant 0 : i32
      %while3A_67 = arith.subi %select_n3A, %while3A : i32
      %while3A_68 = arith.addi %while3A, %while3A_67 : i32
      %while3A_69 = arith.constant 1 : i32
      %while3A_70 = arith.divsi %while3A_67, %while3A_69 : i32
      %while3A_71 = arith.muli %while3A_70, %while3A_69 : i32
      %while3A_72 = arith.addi %while3A, %while3A_71 : i32
      %while3A_73 = arith.constant 1 : i32
      %while3A_74 = scf.for %while3A_78 = %while3A to %while3A_72 step %while3A_73 iter_args(%while3A_79 = %while3A_66) -> (i32)  : i32 {
        %mul3A_80 = arith.constant 1 : i32
        %mul3A_81 = arith.muli %mul3A_80, %while3A_78 : i32
        %add3A_82 = arith.constant 0 : i32
        %add3A_83 = arith.addi %mul3A_81, %add3A_82 : i32
        %mul3A_84 = arith.constant 16 : i32
        %mul3A_85 = arith.muli %add3A_83, %mul3A_84 : i32
        %dma_start3A = tpu.memref_slice %arg9[%mul3A_85] : memref<16080xi32, #tpu.memory_space<vmem>> -> memref<16xi32, #tpu.memory_space<vmem>>
        %dma_start3A_86 = arith.constant 0 : i32
        %dma_start3A_87 = arith.constant 0 : i32
        %dma_start3A_88 = tpu.memref_slice %arg4[%dma_start3A_86, %dma_start3A_87] : memref<10000x128xf32, #tpu.memory_space<hbm>> -> memref<10000x128xf32, #tpu.memory_space<hbm>>
        tpu.enqueue_indirect_dma source(%dma_start3A_88 : memref<10000x128xf32, #tpu.memory_space<hbm>>) target(%arg11 : memref<16x128xf32, #tpu.memory_space<vmem>>) offsets(%dma_start3A : memref<16xi32, #tpu.memory_space<vmem>>) semaphore(%arg12 : memref<!tpu.dma_semaphore, #tpu.memory_space<semaphore_mem>>)
        %dma_wait3A = tpu.memref_slice %arg9[%mul3A_85] : memref<16080xi32, #tpu.memory_space<vmem>> -> memref<16xi32, #tpu.memory_space<vmem>>
        %dma_wait3A_89 = arith.constant 0 : i32
        %dma_wait3A_90 = arith.constant 0 : i32
        %dma_wait3A_91 = tpu.memref_slice %arg4[%dma_wait3A_89, %dma_wait3A_90] : memref<10000x128xf32, #tpu.memory_space<hbm>> -> memref<10000x128xf32, #tpu.memory_space<hbm>>
        tpu.wait_indirect_dma semaphore(%arg12 : memref<!tpu.dma_semaphore, #tpu.memory_space<semaphore_mem>>) src(%dma_wait3A_91 : memref<10000x128xf32, #tpu.memory_space<hbm>>) dst(%arg11 : memref<16x128xf32, #tpu.memory_space<vmem>>)
        %mul3A_92 = arith.constant 1 : i32
        %mul3A_93 = arith.muli %mul3A_92, %while3A_78 : i32
        %add3A_94 = arith.constant 0 : i32
        %add3A_95 = arith.addi %mul3A_93, %add3A_94 : i32
        %scan3A_96 = arith.constant 0 : i32
        %scan3A_97 = arith.constant 0 : i32
        %scan3A_98 = arith.constant 16 : i32
        %scan3A_99 = arith.addi %scan3A_97, %scan3A_98 : i32
        %scan3A_100 = arith.constant 1 : i32
        %scan3A_101 = scf.for %scan3A_104 = %scan3A_97 to %scan3A_99 step %scan3A_100 iter_args(%scan3A_105 = %scan3A_96) -> (i32)  : i32 {
          %mul3A_106 = arith.constant 16 : i32
          %mul3A_107 = arith.muli %add3A_95, %mul3A_106 : i32
          %add3A_108 = arith.addi %mul3A_107, %scan3A_104 : i32
          %get3A = arith.index_cast %add3A_108 : i32 to index
          %get3A_109 = tpu.vector_load %arg10[%get3A] {strides = array<i32>} : memref<16080xi32, #tpu.memory_space<vmem>>, vector<16xi32>,
          %slice3A = vector.extract_strided_slice %get3A_109 {offsets = [0], sizes = [1], strides = [1]} : vector<16xi32> to vector<1xi32>
          %squeeze3A = vector.extract %slice3A[0] : i32 from vector<1xi32>
          %get3A_110 = arith.index_cast %squeeze3A : i32 to index
          %get3A_111 = arith.constant 0 : index
          %get3A_112 = tpu.vector_load %arg6[%get3A_110, %get3A_111] {strides = array<i32>} : memref<328x128xf32, #tpu.memory_space<vmem>>, vector<16xf32>,
          %get3A_113 = arith.index_cast %scan3A_104 : i32 to index
          %get3A_114 = arith.constant 0 : index
          %get3A_115 = tpu.vector_load %arg11[%get3A_113, %get3A_114] {strides = array<i32>} : memref<16x128xf32, #tpu.memory_space<vmem>>, vector<16xf32>,
          %max3A = arith.maximumf %get3A_112, %get3A_115 : vector<16xf32>
          %swap3A_116 = arith.index_cast %squeeze3A : i32 to index
          %swap3A_117 = arith.constant 0 : index
          %swap3A_118 = tpu.vector_load %arg6[%swap3A_116, %swap3A_117] {strides = array<i32>} : memref<328x128xf32, #tpu.memory_space<vmem>>, vector<16xf32>,
          tpu.vector_store %arg6[%swap3A_116, %swap3A_117], %max3A {strides = array<i32>} : memref<328x128xf32, #tpu.memory_space<vmem>>, vector<16xf32>,
          %get3A_119 = arith.index_cast %squeeze3A : i32 to index
          %get3A_120 = arith.constant 16 : index
          %get3A_121 = tpu.vector_load %arg6[%get3A_119, %get3A_120] {strides = array<i32>} : memref<328x128xf32, #tpu.memory_space<vmem>>, vector<16xf32>,
          %get3A_122 = arith.index_cast %scan3A_104 : i32 to index
          %get3A_123 = arith.constant 16 : index
          %get3A_124 = tpu.vector_load %arg11[%get3A_122, %get3A_123] {strides = array<i32>} : memref<16x128xf32, #tpu.memory_space<vmem>>, vector<16xf32>,
          %max3A_125 = arith.maximumf %get3A_121, %get3A_124 : vector<16xf32>
          %swap3A_126 = arith.index_cast %squeeze3A : i32 to index
          %swap3A_127 = arith.constant 16 : index
          %swap3A_128 = tpu.vector_load %arg6[%swap3A_126, %swap3A_127] {strides = array<i32>} : memref<328x128xf32, #tpu.memory_space<vmem>>, vector<16xf32>,
          tpu.vector_store %arg6[%swap3A_126, %swap3A_127], %max3A_125 {strides = array<i32>} : memref<328x128xf32, #tpu.memory_space<vmem>>, vector<16xf32>,
          %get3A_129 = arith.index_cast %squeeze3A : i32 to index
          %get3A_130 = arith.constant 32 : index
          %get3A_131 = tpu.vector_load %arg6[%get3A_129, %get3A_130] {strides = array<i32>} : memref<328x128xf32, #tpu.memory_space<vmem>>, vector<16xf32>,
          %get3A_132 = arith.index_cast %scan3A_104 : i32 to index
          %get3A_133 = arith.constant 32 : index
          %get3A_134 = tpu.vector_load %arg11[%get3A_132, %get3A_133] {strides = array<i32>} : memref<16x128xf32, #tpu.memory_space<vmem>>, vector<16xf32>,
          %max3A_135 = arith.maximumf %get3A_131, %get3A_134 : vector<16xf32>
          %swap3A_136 = arith.index_cast %squeeze3A : i32 to index
          %swap3A_137 = arith.constant 32 : index
          %swap3A_138 = tpu.vector_load %arg6[%swap3A_136, %swap3A_137] {strides = array<i32>} : memref<328x128xf32, #tpu.memory_space<vmem>>, vector<16xf32>,
          tpu.vector_store %arg6[%swap3A_136, %swap3A_137], %max3A_135 {strides = array<i32>} : memref<328x128xf32, #tpu.memory_space<vmem>>, vector<16xf32>,
          %get3A_139 = arith.index_cast %squeeze3A : i32 to index
          %get3A_140 = arith.constant 48 : index
          %get3A_141 = tpu.vector_load %arg6[%get3A_139, %get3A_140] {strides = array<i32>} : memref<328x128xf32, #tpu.memory_space<vmem>>, vector<16xf32>,
          %get3A_142 = arith.index_cast %scan3A_104 : i32 to index
          %get3A_143 = arith.constant 48 : index
          %get3A_144 = tpu.vector_load %arg11[%get3A_142, %get3A_143] {strides = array<i32>} : memref<16x128xf32, #tpu.memory_space<vmem>>, vector<16xf32>,
          %max3A_145 = arith.maximumf %get3A_141, %get3A_144 : vector<16xf32>
          %swap3A_146 = arith.index_cast %squeeze3A : i32 to index
          %swap3A_147 = arith.constant 48 : index
          %swap3A_148 = tpu.vector_load %arg6[%swap3A_146, %swap3A_147] {strides = array<i32>} : memref<328x128xf32, #tpu.memory_space<vmem>>, vector<16xf32>,
          tpu.vector_store %arg6[%swap3A_146, %swap3A_147], %max3A_145 {strides = array<i32>} : memref<328x128xf32, #tpu.memory_space<vmem>>, vector<16xf32>,
          %get3A_149 = arith.index_cast %squeeze3A : i32 to index
          %get3A_150 = arith.constant 64 : index
          %get3A_151 = tpu.vector_load %arg6[%get3A_149, %get3A_150] {strides = array<i32>} : memref<328x128xf32, #tpu.memory_space<vmem>>, vector<16xf32>,
          %get3A_152 = arith.index_cast %scan3A_104 : i32 to index
          %get3A_153 = arith.constant 64 : index
          %get3A_154 = tpu.vector_load %arg11[%get3A_152, %get3A_153] {strides = array<i32>} : memref<16x128xf32, #tpu.memory_space<vmem>>, vector<16xf32>,
          %max3A_155 = arith.maximumf %get3A_151, %get3A_154 : vector<16xf32>
          %swap3A_156 = arith.index_cast %squeeze3A : i32 to index
          %swap3A_157 = arith.constant 64 : index
          %swap3A_158 = tpu.vector_load %arg6[%swap3A_156, %swap3A_157] {strides = array<i32>} : memref<328x128xf32, #tpu.memory_space<vmem>>, vector<16xf32>,
          tpu.vector_store %arg6[%swap3A_156, %swap3A_157], %max3A_155 {strides = array<i32>} : memref<328x128xf32, #tpu.memory_space<vmem>>, vector<16xf32>,
          %get3A_159 = arith.index_cast %squeeze3A : i32 to index
          %get3A_160 = arith.constant 80 : index
          %get3A_161 = tpu.vector_load %arg6[%get3A_159, %get3A_160] {strides = array<i32>} : memref<328x128xf32, #tpu.memory_space<vmem>>, vector<16xf32>,
          %get3A_162 = arith.index_cast %scan3A_104 : i32 to index
          %get3A_163 = arith.constant 80 : index
          %get3A_164 = tpu.vector_load %arg11[%get3A_162, %get3A_163] {strides = array<i32>} : memref<16x128xf32, #tpu.memory_space<vmem>>, vector<16xf32>,
          %max3A_165 = arith.maximumf %get3A_161, %get3A_164 : vector<16xf32>
          %swap3A_166 = arith.index_cast %squeeze3A : i32 to index
          %swap3A_167 = arith.constant 80 : index
          %swap3A_168 = tpu.vector_load %arg6[%swap3A_166, %swap3A_167] {strides = array<i32>} : memref<328x128xf32, #tpu.memory_space<vmem>>, vector<16xf32>,
          tpu.vector_store %arg6[%swap3A_166, %swap3A_167], %max3A_165 {strides = array<i32>} : memref<328x128xf32, #tpu.memory_space<vmem>>, vector<16xf32>,
          %get3A_169 = arith.index_cast %squeeze3A : i32 to index
          %get3A_170 = arith.constant 96 : index
          %get3A_171 = tpu.vector_load %arg6[%get3A_169, %get3A_170] {strides = array<i32>} : memref<328x128xf32, #tpu.memory_space<vmem>>, vector<16xf32>,
          %get3A_172 = arith.index_cast %scan3A_104 : i32 to index
          %get3A_173 = arith.constant 96 : index
          %get3A_174 = tpu.vector_load %arg11[%get3A_172, %get3A_173] {strides = array<i32>} : memref<16x128xf32, #tpu.memory_space<vmem>>, vector<16xf32>,
          %max3A_175 = arith.maximumf %get3A_171, %get3A_174 : vector<16xf32>
          %swap3A_176 = arith.index_cast %squeeze3A : i32 to index
          %swap3A_177 = arith.constant 96 : index
          %swap3A_178 = tpu.vector_load %arg6[%swap3A_176, %swap3A_177] {strides = array<i32>} : memref<328x128xf32, #tpu.memory_space<vmem>>, vector<16xf32>,
          tpu.vector_store %arg6[%swap3A_176, %swap3A_177], %max3A_175 {strides = array<i32>} : memref<328x128xf32, #tpu.memory_space<vmem>>, vector<16xf32>,
          %get3A_179 = arith.index_cast %squeeze3A : i32 to index
          %get3A_180 = arith.constant 112 : index
          %get3A_181 = tpu.vector_load %arg6[%get3A_179, %get3A_180] {strides = array<i32>} : memref<328x128xf32, #tpu.memory_space<vmem>>, vector<16xf32>,
          %get3A_182 = arith.index_cast %scan3A_104 : i32 to index
          %get3A_183 = arith.constant 112 : index
          %get3A_184 = tpu.vector_load %arg11[%get3A_182, %get3A_183] {strides = array<i32>} : memref<16x128xf32, #tpu.memory_space<vmem>>, vector<16xf32>,
          %max3A_185 = arith.maximumf %get3A_181, %get3A_184 : vector<16xf32>
          %swap3A_186 = arith.index_cast %squeeze3A : i32 to index
          %swap3A_187 = arith.constant 112 : index
          %swap3A_188 = tpu.vector_load %arg6[%swap3A_186, %swap3A_187] {strides = array<i32>} : memref<328x128xf32, #tpu.memory_space<vmem>>, vector<16xf32>,
          tpu.vector_store %arg6[%swap3A_186, %swap3A_187], %max3A_185 {strides = array<i32>} : memref<328x128xf32, #tpu.memory_space<vmem>>, vector<16xf32>,
          %scan3A_189 = arith.constant 0 : i32
          scf.yield %scan3A_189 : i32
        }
        %scan3A_102 = arith.constant 16 : i32
        %while3A_103 = arith.constant 0 : i32
        scf.yield %while3A_103 : i32
      }
      %while3A_75 = arith.constant 1 : i32
      %while3A_76 = scf.for %while3A_78 = %while3A_72 to %while3A_68 step %while3A_75 iter_args(%while3A_79 = %while3A_74) -> (i32)  : i32 {
        %mul3A_80 = arith.constant 1 : i32
        %mul3A_81 = arith.muli %mul3A_80, %while3A_78 : i32
        %add3A_82 = arith.constant 0 : i32
        %add3A_83 = arith.addi %mul3A_81, %add3A_82 : i32
        %mul3A_84 = arith.constant 16 : i32
        %mul3A_85 = arith.muli %add3A_83, %mul3A_84 : i32
        %dma_start3A = tpu.memref_slice %arg9[%mul3A_85] : memref<16080xi32, #tpu.memory_space<vmem>> -> memref<16xi32, #tpu.memory_space<vmem>>
        %dma_start3A_86 = arith.constant 0 : i32
        %dma_start3A_87 = arith.constant 0 : i32
        %dma_start3A_88 = tpu.memref_slice %arg4[%dma_start3A_86, %dma_start3A_87] : memref<10000x128xf32, #tpu.memory_space<hbm>> -> memref<10000x128xf32, #tpu.memory_space<hbm>>
        tpu.enqueue_indirect_dma source(%dma_start3A_88 : memref<10000x128xf32, #tpu.memory_space<hbm>>) target(%arg11 : memref<16x128xf32, #tpu.memory_space<vmem>>) offsets(%dma_start3A : memref<16xi32, #tpu.memory_space<vmem>>) semaphore(%arg12 : memref<!tpu.dma_semaphore, #tpu.memory_space<semaphore_mem>>)
        %dma_wait3A = tpu.memref_slice %arg9[%mul3A_85] : memref<16080xi32, #tpu.memory_space<vmem>> -> memref<16xi32, #tpu.memory_space<vmem>>
        %dma_wait3A_89 = arith.constant 0 : i32
        %dma_wait3A_90 = arith.constant 0 : i32
        %dma_wait3A_91 = tpu.memref_slice %arg4[%dma_wait3A_89, %dma_wait3A_90] : memref<10000x128xf32, #tpu.memory_space<hbm>> -> memref<10000x128xf32, #tpu.memory_space<hbm>>
        tpu.wait_indirect_dma semaphore(%arg12 : memref<!tpu.dma_semaphore, #tpu.memory_space<semaphore_mem>>) src(%dma_wait3A_91 : memref<10000x128xf32, #tpu.memory_space<hbm>>) dst(%arg11 : memref<16x128xf32, #tpu.memory_space<vmem>>)
        %mul3A_92 = arith.constant 1 : i32
        %mul3A_93 = arith.muli %mul3A_92, %while3A_78 : i32
        %add3A_94 = arith.constant 0 : i32
        %add3A_95 = arith.addi %mul3A_93, %add3A_94 : i32
        %scan3A_96 = arith.constant 0 : i32
        %scan3A_97 = arith.constant 0 : i32
        %scan3A_98 = arith.constant 16 : i32
        %scan3A_99 = arith.addi %scan3A_97, %scan3A_98 : i32
        %scan3A_100 = arith.constant 1 : i32
        %scan3A_101 = scf.for %scan3A_104 = %scan3A_97 to %scan3A_99 step %scan3A_100 iter_args(%scan3A_105 = %scan3A_96) -> (i32)  : i32 {
          %mul3A_106 = arith.constant 16 : i32
          %mul3A_107 = arith.muli %add3A_95, %mul3A_106 : i32
          %add3A_108 = arith.addi %mul3A_107, %scan3A_104 : i32
          %get3A = arith.index_cast %add3A_108 : i32 to index
          %get3A_109 = tpu.vector_load %arg10[%get3A] {strides = array<i32>} : memref<16080xi32, #tpu.memory_space<vmem>>, vector<16xi32>,
          %slice3A = vector.extract_strided_slice %get3A_109 {offsets = [0], sizes = [1], strides = [1]} : vector<16xi32> to vector<1xi32>
          %squeeze3A = vector.extract %slice3A[0] : i32 from vector<1xi32>
          %get3A_110 = arith.index_cast %squeeze3A : i32 to index
          %get3A_111 = arith.constant 0 : index
          %get3A_112 = tpu.vector_load %arg6[%get3A_110, %get3A_111] {strides = array<i32>} : memref<328x128xf32, #tpu.memory_space<vmem>>, vector<16xf32>,
          %get3A_113 = arith.index_cast %scan3A_104 : i32 to index
          %get3A_114 = arith.constant 0 : index
          %get3A_115 = tpu.vector_load %arg11[%get3A_113, %get3A_114] {strides = array<i32>} : memref<16x128xf32, #tpu.memory_space<vmem>>, vector<16xf32>,
          %max3A = arith.maximumf %get3A_112, %get3A_115 : vector<16xf32>
          %swap3A_116 = arith.index_cast %squeeze3A : i32 to index
          %swap3A_117 = arith.constant 0 : index
          %swap3A_118 = tpu.vector_load %arg6[%swap3A_116, %swap3A_117] {strides = array<i32>} : memref<328x128xf32, #tpu.memory_space<vmem>>, vector<16xf32>,
          tpu.vector_store %arg6[%swap3A_116, %swap3A_117], %max3A {strides = array<i32>} : memref<328x128xf32, #tpu.memory_space<vmem>>, vector<16xf32>,
          %get3A_119 = arith.index_cast %squeeze3A : i32 to index
          %get3A_120 = arith.constant 16 : index
          %get3A_121 = tpu.vector_load %arg6[%get3A_119, %get3A_120] {strides = array<i32>} : memref<328x128xf32, #tpu.memory_space<vmem>>, vector<16xf32>,
          %get3A_122 = arith.index_cast %scan3A_104 : i32 to index
          %get3A_123 = arith.constant 16 : index
          %get3A_124 = tpu.vector_load %arg11[%get3A_122, %get3A_123] {strides = array<i32>} : memref<16x128xf32, #tpu.memory_space<vmem>>, vector<16xf32>,
          %max3A_125 = arith.maximumf %get3A_121, %get3A_124 : vector<16xf32>
          %swap3A_126 = arith.index_cast %squeeze3A : i32 to index
          %swap3A_127 = arith.constant 16 : index
          %swap3A_128 = tpu.vector_load %arg6[%swap3A_126, %swap3A_127] {strides = array<i32>} : memref<328x128xf32, #tpu.memory_space<vmem>>, vector<16xf32>,
          tpu.vector_store %arg6[%swap3A_126, %swap3A_127], %max3A_125 {strides = array<i32>} : memref<328x128xf32, #tpu.memory_space<vmem>>, vector<16xf32>,
          %get3A_129 = arith.index_cast %squeeze3A : i32 to index
          %get3A_130 = arith.constant 32 : index
          %get3A_131 = tpu.vector_load %arg6[%get3A_129, %get3A_130] {strides = array<i32>} : memref<328x128xf32, #tpu.memory_space<vmem>>, vector<16xf32>,
          %get3A_132 = arith.index_cast %scan3A_104 : i32 to index
          %get3A_133 = arith.constant 32 : index
          %get3A_134 = tpu.vector_load %arg11[%get3A_132, %get3A_133] {strides = array<i32>} : memref<16x128xf32, #tpu.memory_space<vmem>>, vector<16xf32>,
          %max3A_135 = arith.maximumf %get3A_131, %get3A_134 : vector<16xf32>
          %swap3A_136 = arith.index_cast %squeeze3A : i32 to index
          %swap3A_137 = arith.constant 32 : index
          %swap3A_138 = tpu.vector_load %arg6[%swap3A_136, %swap3A_137] {strides = array<i32>} : memref<328x128xf32, #tpu.memory_space<vmem>>, vector<16xf32>,
          tpu.vector_store %arg6[%swap3A_136, %swap3A_137], %max3A_135 {strides = array<i32>} : memref<328x128xf32, #tpu.memory_space<vmem>>, vector<16xf32>,
          %get3A_139 = arith.index_cast %squeeze3A : i32 to index
          %get3A_140 = arith.constant 48 : index
          %get3A_141 = tpu.vector_load %arg6[%get3A_139, %get3A_140] {strides = array<i32>} : memref<328x128xf32, #tpu.memory_space<vmem>>, vector<16xf32>,
          %get3A_142 = arith.index_cast %scan3A_104 : i32 to index
          %get3A_143 = arith.constant 48 : index
          %get3A_144 = tpu.vector_load %arg11[%get3A_142, %get3A_143] {strides = array<i32>} : memref<16x128xf32, #tpu.memory_space<vmem>>, vector<16xf32>,
          %max3A_145 = arith.maximumf %get3A_141, %get3A_144 : vector<16xf32>
          %swap3A_146 = arith.index_cast %squeeze3A : i32 to index
          %swap3A_147 = arith.constant 48 : index
          %swap3A_148 = tpu.vector_load %arg6[%swap3A_146, %swap3A_147] {strides = array<i32>} : memref<328x128xf32, #tpu.memory_space<vmem>>, vector<16xf32>,
          tpu.vector_store %arg6[%swap3A_146, %swap3A_147], %max3A_145 {strides = array<i32>} : memref<328x128xf32, #tpu.memory_space<vmem>>, vector<16xf32>,
          %get3A_149 = arith.index_cast %squeeze3A : i32 to index
          %get3A_150 = arith.constant 64 : index
          %get3A_151 = tpu.vector_load %arg6[%get3A_149, %get3A_150] {strides = array<i32>} : memref<328x128xf32, #tpu.memory_space<vmem>>, vector<16xf32>,
          %get3A_152 = arith.index_cast %scan3A_104 : i32 to index
          %get3A_153 = arith.constant 64 : index
          %get3A_154 = tpu.vector_load %arg11[%get3A_152, %get3A_153] {strides = array<i32>} : memref<16x128xf32, #tpu.memory_space<vmem>>, vector<16xf32>,
          %max3A_155 = arith.maximumf %get3A_151, %get3A_154 : vector<16xf32>
          %swap3A_156 = arith.index_cast %squeeze3A : i32 to index
          %swap3A_157 = arith.constant 64 : index
          %swap3A_158 = tpu.vector_load %arg6[%swap3A_156, %swap3A_157] {strides = array<i32>} : memref<328x128xf32, #tpu.memory_space<vmem>>, vector<16xf32>,
          tpu.vector_store %arg6[%swap3A_156, %swap3A_157], %max3A_155 {strides = array<i32>} : memref<328x128xf32, #tpu.memory_space<vmem>>, vector<16xf32>,
          %get3A_159 = arith.index_cast %squeeze3A : i32 to index
          %get3A_160 = arith.constant 80 : index
          %get3A_161 = tpu.vector_load %arg6[%get3A_159, %get3A_160] {strides = array<i32>} : memref<328x128xf32, #tpu.memory_space<vmem>>, vector<16xf32>,
          %get3A_162 = arith.index_cast %scan3A_104 : i32 to index
          %get3A_163 = arith.constant 80 : index
          %get3A_164 = tpu.vector_load %arg11[%get3A_162, %get3A_163] {strides = array<i32>} : memref<16x128xf32, #tpu.memory_space<vmem>>, vector<16xf32>,
          %max3A_165 = arith.maximumf %get3A_161, %get3A_164 : vector<16xf32>
          %swap3A_166 = arith.index_cast %squeeze3A : i32 to index
          %swap3A_167 = arith.constant 80 : index
          %swap3A_168 = tpu.vector_load %arg6[%swap3A_166, %swap3A_167] {strides = array<i32>} : memref<328x128xf32, #tpu.memory_space<vmem>>, vector<16xf32>,
          tpu.vector_store %arg6[%swap3A_166, %swap3A_167], %max3A_165 {strides = array<i32>} : memref<328x128xf32, #tpu.memory_space<vmem>>, vector<16xf32>,
          %get3A_169 = arith.index_cast %squeeze3A : i32 to index
          %get3A_170 = arith.constant 96 : index
          %get3A_171 = tpu.vector_load %arg6[%get3A_169, %get3A_170] {strides = array<i32>} : memref<328x128xf32, #tpu.memory_space<vmem>>, vector<16xf32>,
          %get3A_172 = arith.index_cast %scan3A_104 : i32 to index
          %get3A_173 = arith.constant 96 : index
          %get3A_174 = tpu.vector_load %arg11[%get3A_172, %get3A_173] {strides = array<i32>} : memref<16x128xf32, #tpu.memory_space<vmem>>, vector<16xf32>,
          %max3A_175 = arith.maximumf %get3A_171, %get3A_174 : vector<16xf32>
          %swap3A_176 = arith.index_cast %squeeze3A : i32 to index
          %swap3A_177 = arith.constant 96 : index
          %swap3A_178 = tpu.vector_load %arg6[%swap3A_176, %swap3A_177] {strides = array<i32>} : memref<328x128xf32, #tpu.memory_space<vmem>>, vector<16xf32>,
          tpu.vector_store %arg6[%swap3A_176, %swap3A_177], %max3A_175 {strides = array<i32>} : memref<328x128xf32, #tpu.memory_space<vmem>>, vector<16xf32>,
          %get3A_179 = arith.index_cast %squeeze3A : i32 to index
          %get3A_180 = arith.constant 112 : index
          %get3A_181 = tpu.vector_load %arg6[%get3A_179, %get3A_180] {strides = array<i32>} : memref<328x128xf32, #tpu.memory_space<vmem>>, vector<16xf32>,
          %get3A_182 = arith.index_cast %scan3A_104 : i32 to index
          %get3A_183 = arith.constant 112 : index
          %get3A_184 = tpu.vector_load %arg11[%get3A_182, %get3A_183] {strides = array<i32>} : memref<16x128xf32, #tpu.memory_space<vmem>>, vector<16xf32>,
          %max3A_185 = arith.maximumf %get3A_181, %get3A_184 : vector<16xf32>
          %swap3A_186 = arith.index_cast %squeeze3A : i32 to index
          %swap3A_187 = arith.constant 112 : index
          %swap3A_188 = tpu.vector_load %arg6[%swap3A_186, %swap3A_187] {strides = array<i32>} : memref<328x128xf32, #tpu.memory_space<vmem>>, vector<16xf32>,
          tpu.vector_store %arg6[%swap3A_186, %swap3A_187], %max3A_185 {strides = array<i32>} : memref<328x128xf32, #tpu.memory_space<vmem>>, vector<16xf32>,
          %scan3A_189 = arith.constant 0 : i32
          scf.yield %scan3A_189 : i32
        }
        %scan3A_102 = arith.constant 16 : i32
        %while3A_103 = arith.constant 0 : i32
        scf.yield %while3A_103 : i32
      }
      %scan3A_77 = arith.constant 0 : i32
      scf.yield %scan3A_77 : i32
    }
    %scan3A_27 = arith.constant 20 : i32
    "tpu.region"() ({
      %run_scoped3A = tpu.sem_alloc : memref<!tpu.dma_semaphore, #tpu.memory_space<semaphore_mem>>
      %dma_start3A = arith.constant 0 : i32
      %dma_start3A_28 = arith.constant 0 : i32
      %dma_start3A_29 = tpu.memref_slice %arg6[%dma_start3A, %dma_start3A_28] : memref<328x128xf32, #tpu.memory_space<vmem>> -> memref<320x128xf32, #tpu.memory_space<vmem>>
      %dma_start3A_30 = arith.constant 0 : i32
      %dma_start3A_31 = tpu.memref_slice %arg5[%mul3A_2, %dma_start3A_30] : memref<10240x128xf32, #tpu.memory_space<hbm>> -> memref<320x128xf32, #tpu.memory_space<hbm>>
      %dma_start3A_32 = arith.constant 0 : i32
      %dma_start3A_33 = tpu.memref_slice %arg5[%mul3A_2, %dma_start3A_32] : memref<10240x128xf32, #tpu.memory_space<hbm>> -> memref<320x128xf32, #tpu.memory_space<hbm>>
      %dma_start3A_34 = arith.constant 0 : i32
      %dma_start3A_35 = arith.constant 0 : i32
      %dma_start3A_36 = tpu.memref_slice %arg6[%dma_start3A_34, %dma_start3A_35] : memref<328x128xf32, #tpu.memory_space<vmem>> -> memref<320x128xf32, #tpu.memory_space<vmem>>
      tpu.enqueue_dma source(%dma_start3A_36 : memref<320x128xf32, #tpu.memory_space<vmem>>) target(%dma_start3A_33 : memref<320x128xf32, #tpu.memory_space<hbm>>) target_semaphore(%run_scoped3A : memref<!tpu.dma_semaphore, #tpu.memory_space<semaphore_mem>>)
      %dma_wait3A = arith.constant 0 : i32
      %dma_wait3A_37 = arith.constant 0 : i32
      %dma_wait3A_38 = tpu.memref_slice %arg6[%dma_wait3A, %dma_wait3A_37] : memref<328x128xf32, #tpu.memory_space<vmem>> -> memref<320x128xf32, #tpu.memory_space<vmem>>
      %dma_wait3A_39 = arith.constant 0 : i32
      %dma_wait3A_40 = tpu.memref_slice %arg5[%mul3A_2, %dma_wait3A_39] : memref<10240x128xf32, #tpu.memory_space<hbm>> -> memref<320x128xf32, #tpu.memory_space<hbm>>
      %dma_wait3A_41 = arith.constant 0 : i32
      %dma_wait3A_42 = tpu.memref_slice %arg5[%mul3A_2, %dma_wait3A_41] : memref<10240x128xf32, #tpu.memory_space<hbm>> -> memref<320x128xf32, #tpu.memory_space<hbm>>
      %dma_wait3A_43 = arith.constant 0 : i32
      %dma_wait3A_44 = arith.constant 0 : i32
      %dma_wait3A_45 = tpu.memref_slice %arg6[%dma_wait3A_43, %dma_wait3A_44] : memref<328x128xf32, #tpu.memory_space<vmem>> -> memref<320x128xf32, #tpu.memory_space<vmem>>
      tpu.wait_dma2 semaphore(%run_scoped3A : memref<!tpu.dma_semaphore, #tpu.memory_space<semaphore_mem>>) src(%dma_wait3A_45 : memref<320x128xf32, #tpu.memory_space<vmem>>) dst(%dma_wait3A_42 : memref<320x128xf32, #tpu.memory_space<hbm>>)
      tpu.yield
    }) : () -> ()
    return
  }
}

module attributes {stable_mosaic.version = 14 : i64} {
  func.func @body(%arg0: memref<10000x128xf32, #tpu.memory_space<vmem>>, %arg1: memref<10000x128xf32, #tpu.memory_space<vmem>>, %arg2: memref<128x384xf32, #tpu.memory_space<vmem>>, %arg3: memref<128x384xf32, #tpu.memory_space<vmem>>, %arg4: memref<1x384xf32, #tpu.memory_space<vmem>>, %arg5: memref<1x384xf32, #tpu.memory_space<vmem>>, %arg6: memref<1x384xf32, #tpu.memory_space<vmem>>, %arg7: memref<10000x128xf32, #tpu.memory_space<vmem>>) attributes {dimension_semantics = [], scalar_prefetch = 0 : i64, scratch_operands = 0 : i64, tpu.core_type = #tpu.core_type<tc>} {
    %get3A = arith.constant 0 : index
    %get3A_0 = arith.constant 0 : index
    %get3A_1 = vector.load %arg0[%get3A, %get3A_0] : memref<10000x128xf32, #tpu.memory_space<vmem>>, vector<10000x128xf32>
    %get3A_2 = arith.constant 0 : index
    %get3A_3 = arith.constant 0 : index
    %get3A_4 = vector.load %arg1[%get3A_2, %get3A_3] : memref<10000x128xf32, #tpu.memory_space<vmem>>, vector<10000x128xf32>
    %eq3A = arith.constant 0xFF800000 : f32
    %eq3A_5 = vector.broadcast %eq3A : f32 to vector<10000x128xf32>
    %eq3A_6 = arith.cmpf oeq, %get3A_4, %eq3A_5 : vector<10000x128xf32>
    %jit3A = arith.constant 0.000000e+00 : f32
    %broadcast_in_dim3A = vector.broadcast %jit3A : f32 to vector<10000x128xf32>
    %select_n3A = arith.select %eq3A_6, %broadcast_in_dim3A, %get3A_4 : vector<10000x128xi1>, vector<10000x128xf32>
    %get3A_7 = arith.constant 0 : index
    %get3A_8 = arith.constant 0 : index
    %get3A_9 = vector.load %arg2[%get3A_7, %get3A_8] : memref<128x384xf32, #tpu.memory_space<vmem>>, vector<128x384xf32>
    %dot_general3A = arith.constant dense<0.000000e+00> : vector<10000x384xf32>
    %dot_general3A_10 = tpu.matmul %get3A_1, %get3A_9, %dot_general3A {dimension_numbers = #tpu.dot_dimension_numbers<[1], [0], [0], [1], [0, 0, 1, 1], [], []>, transpose_lhs_hint = false} : vector<10000x128xf32>, vector<128x384xf32>, vector<10000x384xf32> -> vector<10000x384xf32>
    %get3A_11 = arith.constant 0 : index
    %get3A_12 = arith.constant 0 : index
    %get3A_13 = vector.load %arg3[%get3A_11, %get3A_12] : memref<128x384xf32, #tpu.memory_space<vmem>>, vector<128x384xf32>
    %dot_general3A_14 = arith.constant dense<0.000000e+00> : vector<10000x384xf32>
    %dot_general3A_15 = tpu.matmul %select_n3A, %get3A_13, %dot_general3A_14 {dimension_numbers = #tpu.dot_dimension_numbers<[1], [0], [0], [1], [0, 0, 1, 1], [], []>, transpose_lhs_hint = false} : vector<10000x128xf32>, vector<128x384xf32>, vector<10000x384xf32> -> vector<10000x384xf32>
    %add3A = arith.addf %dot_general3A_10, %dot_general3A_15 : vector<10000x384xf32>
    %get3A_16 = arith.constant 0 : index
    %get3A_17 = arith.constant 0 : index
    %get3A_18 = vector.load %arg4[%get3A_16, %get3A_17] : memref<1x384xf32, #tpu.memory_space<vmem>>, vector<1x384xf32>
    %add3A_19 = vector.broadcast %get3A_18 : vector<1x384xf32> to vector<10000x384xf32>
    %add3A_20 = arith.addf %add3A, %add3A_19 : vector<10000x384xf32>
    %reduce_sum3A = arith.constant dense<0.000000e+00> : vector<384xf32>
    %reduce_sum3A_21 = vector.multi_reduction <add>, %add3A_20, %reduce_sum3A [0] : vector<10000x384xf32> to vector<384xf32>
    %broadcast_in_dim3A_22 = vector.shape_cast %reduce_sum3A_21 : vector<384xf32> to vector<1x384xf32>
    %div3A = arith.constant 1.000000e+04 : f32
    %div3A_23 = vector.broadcast %div3A : f32 to vector<1x384xf32>
    %div3A_24 = arith.divf %broadcast_in_dim3A_22, %div3A_23 : vector<1x384xf32>
    %sub3A = vector.broadcast %div3A_24 : vector<1x384xf32> to vector<10000x384xf32>
    %sub3A_25 = arith.subf %add3A_20, %sub3A : vector<10000x384xf32>
    %integer_pow3A = arith.mulf %sub3A_25, %sub3A_25 : vector<10000x384xf32>
    %reduce_sum3A_26 = arith.constant dense<0.000000e+00> : vector<384xf32>
    %reduce_sum3A_27 = vector.multi_reduction <add>, %integer_pow3A, %reduce_sum3A_26 [0] : vector<10000x384xf32> to vector<384xf32>
    %broadcast_in_dim3A_28 = vector.shape_cast %reduce_sum3A_27 : vector<384xf32> to vector<1x384xf32>
    %div3A_29 = arith.constant 1.000000e+04 : f32
    %div3A_30 = vector.broadcast %div3A_29 : f32 to vector<1x384xf32>
    %div3A_31 = arith.divf %broadcast_in_dim3A_28, %div3A_30 : vector<1x384xf32>
    %sub3A_32 = vector.broadcast %div3A_24 : vector<1x384xf32> to vector<10000x384xf32>
    %sub3A_33 = arith.subf %add3A_20, %sub3A_32 : vector<10000x384xf32>
    %add3A_34 = arith.constant 9.99999974E-6 : f32
    %add3A_35 = vector.broadcast %add3A_34 : f32 to vector<1x384xf32>
    %add3A_36 = arith.addf %div3A_31, %add3A_35 : vector<1x384xf32>
    %rsqrt3A = math.rsqrt %add3A_36 : vector<1x384xf32>
    %mul3A = vector.broadcast %rsqrt3A : vector<1x384xf32> to vector<10000x384xf32>
    %mul3A_37 = arith.mulf %sub3A_33, %mul3A : vector<10000x384xf32>
    %get3A_38 = arith.constant 0 : index
    %get3A_39 = arith.constant 0 : index
    %get3A_40 = vector.load %arg5[%get3A_38, %get3A_39] : memref<1x384xf32, #tpu.memory_space<vmem>>, vector<1x384xf32>
    %mul3A_41 = vector.broadcast %get3A_40 : vector<1x384xf32> to vector<10000x384xf32>
    %mul3A_42 = arith.mulf %mul3A_37, %mul3A_41 : vector<10000x384xf32>
    %get3A_43 = arith.constant 0 : index
    %get3A_44 = arith.constant 0 : index
    %get3A_45 = vector.load %arg6[%get3A_43, %get3A_44] : memref<1x384xf32, #tpu.memory_space<vmem>>, vector<1x384xf32>
    %add3A_46 = vector.broadcast %get3A_45 : vector<1x384xf32> to vector<10000x384xf32>
    %add3A_47 = arith.addf %mul3A_42, %add3A_46 : vector<10000x384xf32>
    %slice3A = vector.extract_strided_slice %add3A_47 {offsets = [0, 0], sizes = [10000, 128], strides = [1, 1]} : vector<10000x384xf32> to vector<10000x128xf32>
    %slice3A_48 = vector.extract_strided_slice %add3A_47 {offsets = [0, 128], sizes = [10000, 128], strides = [1, 1]} : vector<10000x384xf32> to vector<10000x128xf32>
    %add3A_49 = arith.addf %slice3A, %slice3A_48 : vector<10000x128xf32>
    %slice3A_50 = vector.extract_strided_slice %add3A_47 {offsets = [0, 256], sizes = [10000, 128], strides = [1, 1]} : vector<10000x384xf32> to vector<10000x128xf32>
    %add3A_51 = arith.addf %add3A_49, %slice3A_50 : vector<10000x128xf32>
    %swap3A = arith.constant 0 : index
    %swap3A_52 = arith.constant 0 : index
    %swap3A_53 = vector.load %arg7[%swap3A, %swap3A_52] : memref<10000x128xf32, #tpu.memory_space<vmem>>, vector<10000x128xf32>
    tpu.vector_store %arg7[%swap3A, %swap3A_52], %add3A_51 {strides = array<i32>} : memref<10000x128xf32, #tpu.memory_space<vmem>>, vector<10000x128xf32>,
    return
  }
}

</mosaic_0001>

<sc_bundles>
// kernel: kernel.4.cloned.1.call-start
scs
__scs_entry_jumppad:
0x0: {  	(pc) =	sbr.rel $0x88, $3  }
0x1: {  	(tag) =	ssettag $0x0;
	lr =	simm.s32 $0x1  }
0x2: {  	[smem:$0x3F90] =	sst lr;
	_ =	strace $0xD0000000  }
0x3: {  	_ = 	snop  }
0x4: {  	_ = 	snop  }
0x5: {  	_ = 	snop  }
0x6: {  	_ = 	snop  }
0x7: {  	_ = 	snop  }
__scs_overlays_trampoline_lowered:
0x8: {  	[smem:$0x3F9F] =	sst s0  }
0x9: {  	[smem:$0x3FA0] =	sst s1  }
0xa: {  	[smem:$0x3FA1] =	sst s2  }
0xb: {  	[smem:$0x3FA2] =	sst s3  }
0xc: {  	[smem:$0x3FA3] =	sst s4  }
0xd: {  	[smem:$0x3FA4] =	sst s5  }
0xe: {  	[smem:$0x3FA5] =	sst s6  }
0xf: {  	[smem:$0x3FA6] =	sst s7  }
0x10: {  	[smem:$0x3FA7] =	sst s8  }
0x11: {  	[smem:$0x3FA8] =	sst s9;
	s0 =	simm.s32 @!p0 $0x0  }
0x12: {  	s1 =	sld [smem:$0x3F8E];
	s0 =	simm.s32 @p0 $0x1  }
0x13: {  	[smem:$0x3FA9] =	sst s0;
	s0 =	simm.s32 @!p1 $0x0  }
0x14: {  	s2 =	sld [smem:$0x3F8D];
	s0 =	simm.s32 @p1 $0x1  }
0x15: {  	[smem:$0x3FAA] =	sst s0;
	s0 =	simm.s32 @!p2 $0x0  }
0x16: {  	s3 =	sld [smem:$0x3FDB];
	s0 =	simm.s32 @p2 $0x1  }
0x17: {  	s4 =	simm.s32 $0x1BF5;
	[smem:$0x3FAC] =	sst s0  }
0x18: {  	s0 =	sld [smem:$0x3F8F];
	_ =	swait.ge [sflag:s4], $0x0  }
0x19: {  	s7 =	sld [smem:$0x3F90]  }
0x1a: {  	s8 =	sadd.s32 $0xFFFFE003, lr  }
0x1b: {  	s9 =	sadd.s32 $0xFFFFFEF7, lr;
	s5 =	simm.s32 $0xFFFFFFFF;
	p2 =	slt.u32 s8, $0xFFFFF086  }
0x1c: {  	p1 =	slt.u32 s9, $0xF7A;
	s5 =	simm.s32 @!p2 $0x0  }
0x1d: {  	s5 =	simm.s32 @p1 $0x1;
	p0 =	seq.s32 s7, s2  }
0x1e: {  	s7 =	smul.u32 @!p0 $0xF7A, s2;
	p2 =	seq.s32 @!p0 s5, $0x0  }
0x1f: {  	s9 =	smul.u32 $0xF7A, s1;
	s8 =	simm.s32 @!p0 $0x1BF5;
	p2 =	por !p2, p0  }
0x20: {  	[sflag:s8] =	ssyncset.s32 @!p0 $0xFFFFF086;
	s6 =	sadd.s32 @!p0 s3, s7;
	s7 =	simm.s32 @!p0 $0x108  }
0x21: {  	s3 =	sadd.s32 s3, s9;
	s6 =	sadd.s32 @!p0 $0x88, s6;
	s7 =	simm.s32 @p2 $0x1082  }
0x22: {  	[simem:s7], [sflag:s8] =	dma.local @!p0 [hbm:s6], $0xF7A  }
0x23: {  	s9 =	sor.u32 $0xD0000000, s2;
	s6 =	simm.s32 $0x108;
	_ =	swait.ge @!p0 [sflag:s8], $0x0  }
0x24: {  	s3 =	sadd.s32 $0x88, s3;
	s6 =	simm.s32 @!p1 $0x1082;
	[sflag:s4] =	ssyncset.s32 $0xFFFFF086  }
0x25: {  	[simem:s6], [sflag:s4] =	dma.local [hbm:s3], $0xF7A  }
0x26: {  	[smem:$0x3F90] =	sst s1;
	(tag) =	ssettag s2;
	_ =	strace s9  }
0x27: {  	s1 =	sld [smem:$0x3FA0]  }
0x28: {  	s2 =	sld [smem:$0x3FA1]  }
0x29: {  	s4 =	sld [smem:$0x3FA3]  }
0x2a: {  	p0 =	seq.s32 s5, $0x0;
	s5 =	sld [smem:$0x3FA4]  }
0x2b: {  	s6 =	sld [smem:$0x3FA5]  }
0x2c: {  	s7 =	sld [smem:$0x3FA6]  }
0x2d: {  	s3 =	simm.s32 $0x108;
	s8 =	sld [smem:$0x3FA7]  }
0x2e: {  	s3 =	simm.s32 @!p0 $0x1082;
	s9 =	sld [smem:$0x3FA8]  }
0x2f: {  	lr =	sadd.s32 s0, s3;
	s0 =	sld [smem:$0x3F9F]  }
0x30: {  	s3 =	sld [smem:$0x3FA2]  }
0x31: {  	[smem:$0x3FAB] =	sst s10  }
0x32: {  	s10 =	sld [smem:$0x3FA9];
	_ =	sdelay $0x3  }
0x33: {  	p0 =	seq.s32 s10, $0x1;
	s10 =	sld [smem:$0x3FAB];
	_ =	sdelay $0x3  }
0x34: {  	[smem:$0x3FAB] =	sst s10  }
0x35: {  	s10 =	sld [smem:$0x3FAA];
	_ =	sdelay $0x3  }
0x36: {  	p1 =	seq.s32 s10, $0x1;
	s10 =	sld [smem:$0x3FAB];
	_ =	sdelay $0x3  }
0x37: {  	[smem:$0x3FAB] =	sst s10  }
0x38: {  	s10 =	sld [smem:$0x3FAC]  }
0x39: {  	_ = 	snop;
	(pc) =	sbr.ind lr, $3  }
0x3a: {  	_ = 	snop  }
0x3b: {  	_ = 	snop  }
0x3c: {  	p2 =	seq.s32 s10, $0x1;
	s10 =	sld [smem:$0x3FAB]  }
0x3d: {  	_ =	shalt  }
0x3e: {  	_ =	shalt  }
0x3f: {  	_ =	shalt  }
0x40: {  	_ =	shalt  }
0x41: {  	_ =	shalt  }
0x42: {  	_ =	shalt  }
0x43: {  	_ =	shalt  }
0x44: {  	_ =	shalt  }
0x45: {  	_ =	shalt  }
0x46: {  	_ =	shalt  }
0x47: {  	_ =	shalt  }
0x48: {  	_ =	shalt  }
0x49: {  	_ =	shalt  }
0x4a: {  	_ =	shalt  }
0x4b: {  	_ =	shalt  }
0x4c: {  	_ =	shalt  }
0x4d: {  	_ =	shalt  }
0x4e: {  	_ =	shalt  }
0x4f: {  	_ =	shalt  }
0x50: {  	_ =	shalt  }
0x51: {  	_ =	shalt  }
0x52: {  	_ =	shalt  }
0x53: {  	_ =	shalt  }
0x54: {  	_ =	shalt  }
0x55: {  	_ =	shalt  }
0x56: {  	_ =	shalt  }
0x57: {  	_ =	shalt  }
0x58: {  	_ =	shalt  }
0x59: {  	_ =	shalt  }
0x5a: {  	_ =	shalt  }
0x5b: {  	_ =	shalt  }
0x5c: {  	_ =	shalt  }
0x5d: {  	_ =	shalt  }
0x5e: {  	_ =	shalt  }
0x5f: {  	_ =	shalt  }
0x60: {  	_ =	shalt  }
0x61: {  	_ =	shalt  }
0x62: {  	_ =	shalt  }
0x63: {  	_ =	shalt  }
0x64: {  	_ =	shalt  }
0x65: {  	_ =	shalt  }
0x66: {  	_ =	shalt  }
0x67: {  	_ =	shalt  }
0x68: {  	_ =	shalt  }
0x69: {  	_ =	shalt  }
0x6a: {  	_ =	shalt  }
0x6b: {  	_ =	shalt  }
0x6c: {  	_ =	shalt  }
0x6d: {  	_ =	shalt  }
0x6e: {  	_ =	shalt  }
0x6f: {  	_ =	shalt  }
0x70: {  	_ =	shalt  }
0x71: {  	_ =	shalt  }
0x72: {  	_ =	shalt  }
0x73: {  	_ =	shalt  }
0x74: {  	_ =	shalt  }
0x75: {  	_ =	shalt  }
0x76: {  	_ =	shalt  }
0x77: {  	_ =	shalt  }
0x78: {  	_ =	shalt  }
0x79: {  	_ =	shalt  }
0x7a: {  	_ =	shalt  }
0x7b: {  	_ =	shalt  }
0x7c: {  	_ =	shalt  }
0x7d: {  	_ =	shalt  }
0x7e: {  	_ =	shalt  }
0x7f: {  	_ =	shalt  }
0x80: {  	_ =	shalt  }
0x81: {  	_ =	shalt  }
0x82: {  	_ =	shalt  }
0x83: {  	_ =	shalt  }
0x84: {  	_ =	shalt  }
0x85: {  	_ =	shalt  }
0x86: {  	_ =	shalt  }
0x87: {  	_ =	shalt  }
.Lfunc_end0:
.L_simem_size_0:
called_computation_lowered:
.L_overlay_start_0:
0x88: {  	s2 =	sld [smem:$0x3FD9]  }
0x89: {  	s3 =	sld [smem:$0x3FFE];
	_ =	sdelay $0x1  }
0x8a: {  	s1 =	srdreg.scid  }
0x8b: {  	s0 =	sand.u32 $0x1, s1  }
0x8c: {  	s17 =	sshll.u32 s0, $0xA;
	s2 =	sadd.s32 s3, s2  }
0x8d: {  	s2 =	sadd.s32 s2, s17  }
0x8e: {  	[smem:$0x3FB7] =	sst s2  }
0x8f: {  	_ = 	snop  }
0x90: {  	s2 =	sld [smem:$0x3FC9]  }
0x91: {  	s18 =	sld [smem:$0x3FD0];
	(tm) =	ssettm $0x1  }
0x92: {  	s4 =	sld [smem:$0x3FFB];
	_ =	sdelay $0x3  }
0x93: {  	_ =	strace s4  }
0x94: {  	s4 =	sld [smem:$0x3FFC];
	_ =	sdelay $0x3  }
0x95: {  	_ =	strace s4  }
0x96: {  	s4 =	sld [smem:$0x3FFD];
	_ =	sdelay $0x3  }
0x97: {  	_ =	strace s4  }
0x98: {  	_ =	strace $0x8FFFFFFF  }
0x99: {  	s19 =	sld [smem:$0x3FDB];
	_ =	sdelay $0x1  }
0x9a: {  	s5 =	simm.s32 $_scs_section_size  }
0x9b: {  	s6 =	simm.s32 $_size__tile_overlayer_lowered;
	s7 =	simm.s32 $_tile_overlayer_lowered  }
0x9c: {  	s22 =	simm.s32 $0x1BFF;
	s21 =	sshll.u32 s7, $0x1;
	s4 =	sadd.s32 s5, s19  }
0x9d: {  	s8 =	simm.s32 $0x0;
	s20 =	sshll.u32 s6, $0x1;
	s6 =	sadd.s32 s21, s4  }
0x9e: {  	[timem:s8], [sflag:s22] =	dma.local [hbm:s6], s20  }
0x9f: {  	_ =	swait.ge [sflag:s22], s20  }
0xa0: {  	s5 =	ssub.s32 $0x0, s20;
	[sflag:s22] =	ssyncset.done $0x0  }
0xa1: {  	[sflag:s22] =	ssyncadd.s32 s5;
	_ =	sdelay $0x1  }
0xa2: {  	s23 =	simm.s32 $0x1B8B  }
0xa3: {  	_ =	swait.ge [sflag:s23], $0x1  }
0xa4: {  	[sflag:s23] =	ssyncset.done $0x0  }
0xa5: {  	s25 =	simm.s32 $0x1B8E;
	s24 =	sld [smem:$0x3FFE];
	[sflag:s23] =	ssyncadd.s32 $0xFFFFFFFF  }
0xa6: {  	s26 =	simm.s32 $execute0_lowered;
	[smem:$0x3FD2] =	sst s25  }
0xa7: {  	s6 =	sshll.u32 s26, $0x1;
	_ =	strace $0x80000046;
	[dreg:$0x1] =	wrdreg $0xFFFFFFFF  }
0xa8: {  	s28 =	simm.s32 $_size_execute0_lowered;
	s4 =	sadd.s32 s4, s6;
	[dreg:$0x0] =	wrdreg $0x0  }
0xa9: {  	s6 =	sshll.u32 s28, $0x1;
	[dreg:$0x2] =	wrdreg s4  }
0xaa: {  	[dreg:$0x3] =	wrdreg s6  }
0xab: {  	[dreg:$0x4] =	wrdreg $0xC0  }
0xac: {  	_ =	task [dreg:s8], $0x5FFFF  }
0xad: {  	[dreg:$0x1] =	wrdreg $0xFFFFFFFF  }
0xae: {  	[dreg:$0x0] =	wrdreg $0x60  }
0xaf: {  	[dreg:$0x2] =	wrdreg s24  }
0xb0: {  	[dreg:$0x3] =	wrdreg s18  }
0xb1: {  	[dreg:$0x4] =	wrdreg s2  }
0xb2: {  	[dreg:$0x5] =	wrdreg $0x9  }
0xb3: {  	_ =	task.clear_ibuf [dreg:s8], $0x6FFFF;
	_ =	strace $0x90000046  }
0xb4: {  	s29 =	simm.s32 $0x9;
	_ =	strace $0x80000048  }
0xb5: {  	_ =	swait.ge [sflag:s29], $0x1  }
0xb6: {  	[sflag:s29] =	ssyncadd.s32 $0xFFFFFFFF  }
0xb7: {  	_ =	strace $0x90000048  }
0xb8: {  	_ =	sfence  }
0xb9: {  	s30 =	sld [smem:$0x0];
	_ =	sdelay $0x2  }
0xba: {  	s31 =	sshll.u32 s1, $0xD;
	s1 =	sshrl.u32 s1, $0x2  }
0xbb: {  	s3 =	sand.u32 $0x4000, s31;
	s1 =	sadd.s32 s1, s30  }
0xbc: {  	s0 =	sor.u32 s3, s0;
	s1 =	sshll.u32 s1, $0x11  }
0xbd: {  	s0 =	sor.u32 s1, s0  }
0xbe: {  	s0 =	sadd.s32 $0x8F2B, s0  }
0xbf: {  	[sflag:s0] =	ssyncadd.remote.s32 $0x1  }
0xc0: {  	_ =	sfence.sel $0xFFFF  }
0xc1: {  	[dreg:$0x0] =	wrdreg $0xFFFFFFFF;
	(pc) =	sbr.abs _section_cstart, $3  }
0xc2: {  	[dreg:$0x1] =	wrdreg $0xFFFFFFFF  }
0xc3: {  	_ =	task.clear_ibuf [dreg:s8], $0x2FFFF;
	_ =	strace $0x9FFFFFFF  }
0xc4: {  	(tm) =	ssettm $0x7FFFFFFF  }
0xc5: {  	_ =	shalt  }
tec
execute0_lowered:
.L_overlay_start_1:
0x0: {  	(tag) =	ssettag $0x1  }
0x1: {  	s6 =	rddreg [dreg:$0x0]  }
0x2: {  	s2 =	rddreg [dreg:$0x1];
	s1 =	srdreg.scid  }
0x3: {  	s0 =	stileid.u32;
	s3 =	rddreg [dreg:$0x2]  }
0x4: {  	s4 =	simm.s32 $0x0;
	s13 =	simm.s32 $0x1;
	s14 =	simm.s32 $0x10  }
0x5: {  	s15 =	simm.s32 $0x19F00;
	s5 =	sand.u32 $0x1, s1;
	s7 =	sshll.u32 s0, $0x1  }
0x6: {  	s16 =	simm.s32 $0x0;
	s1 =	rddreg [dreg:$0x3];
	s7 =	sor.u32 s5, s7  }
0x7: {  	[smem:$0x7FF] =	sst s4;
	s9 =	ssub.s32 $0x2, s5;
	s8 =	smul.u32 $0x1400, s7  }
.Ltmp0:
0x8: {  	_ =	strace $0x80000047;
	s10 =	sshrl.u32 s9, $0x1;
	(pc) =	sbr.rel .LBB2_1-.Ltmp0, $4  }
0x9: {  	s5 =	sadd.s32 $0x1E00, s6;
	s11 =	smul.u32 $0x140, s7;
	s31 =	ssub.s32 s9, s10  }
0xa: {  	v2 =	vimm.f32 $-Inf;
	s9 =	simm.s32 $0x2;
	s10 =	simm.s32 $0xE280;
	s6 =	sadd.s32 s8, s6  }
0xb: {  	v4 =	vlaneseq.u32;
	v3 =	vimm.s32 $0x0;
	v5 =	vimm.s32 $0x147;
	s12 =	sadd.s32 $0x140, s11;
	s7 =	smax.u32 s31, $0x1;
	s8 =	simm.s32 $0xA400  }
0xc: {  	v4 =	vor.u32 $0x3EC0, v4;
	v0 =	vmov s11;
	s11 =	simm.s32 $0x12100;
	s6 =	sadd.s32 $0xBC00, s6;
	v1 =	vmov s12;
	s12 =	simm.s32 $0x16000  }
.LBB2_13:
0xd: {  	s16 =	sadd.s32 $0x1, s16  }
0xe: {  	p0 =	sne.s32 s16, s7  }
.Ltmp1:
0xf: {  	_ = 	snop;
	(pc) =	sbr.rel @!p0 .LBB2_14-.Ltmp1, $4  }
0x10: {  	[hbm4b:s6+s4] =	stream.linear.scatter [tilespmem:s4], [sflag:$0x2], $0xA000, $0x38;
	[tilespmem:$0x1A700] =	vst v63  }
0x11: {  	_ =	swait.ge [sflag:s9], $0xA000  }
0x12: {  	[sflag:s9] =	ssyncset.done $0x0  }
0x13: {  	[sflag:s9] =	ssyncadd.s32 $0xFFFF6000  }
.LBB2_1:
0x14: {  	s18 =	simm.s32 $0x0;
	s17 =	simm.s32 $0x200  }
.LBB2_2:
0x15: {  	p0 =	sne.s32 s17, $0x28E00;
	[tilespmem:s18+$0x70] =	vst v2  }
0x16: {  	[tilespmem:s18+$0x0] =	vst v2  }
0x17: {  	[tilespmem:s18+$0x10] =	vst v2  }
.Ltmp2:
0x18: {  	[tilespmem:s18+$0x20] =	vst v2;
	(pc) =	sbr.rel @p0 .LBB2_2-.Ltmp2, $4  }
0x19: {  	[tilespmem:s18+$0x30] =	vst v2  }
0x1a: {  	[tilespmem:s18+$0x40] =	vst v2  }
0x1b: {  	[tilespmem:s18+$0x50] =	vst v2  }
0x1c: {  	[tilespmem:s18+$0x60] =	vst v2;
	s18 =	sshra.s32 s17, $0x2;
	s17 =	sadd.s32 $0x200, s17  }
0x1d: {  	[tilespmem:s18+$0x70] =	vst v2  }
0x1e: {  	[tilespmem:s18+$0x0] =	vst v2  }
0x1f: {  	[tilespmem:s18+$0x10] =	vst v2  }
0x20: {  	[tilespmem:s18+$0x20] =	vst v2  }
0x21: {  	[tilespmem:s18+$0x30] =	vst v2  }
0x22: {  	[tilespmem:s18+$0x40] =	vst v2  }
0x23: {  	[tilespmem:s18+$0x50] =	vst v2  }
0x24: {  	s17 =	simm.s32 $0x0;
	[tilespmem:s18+$0x60] =	vst v2;
	s18 =	simm.s32 $0x40;
	s19 =	simm.s32 $0x0  }
.LBB2_4:
0x25: {  	p0 =	sne.s32 s18, $0xFB00;
	[tilespmem:s19+$0x12100] =	vst v3;
	s19 =	smov.u32 s18;
	s18 =	sadd.s32 $0x40, s18  }
.Ltmp3:
0x26: {  	(pc) =	sbr.rel @p0 .LBB2_4-.Ltmp3, $2  }
0x27: {  	_ =	sdelay $0x2  }
0x28: {  	s19 =	sshra.s32 s19, $0x2  }
.Ltmp4:
0x29: {  	(pc) =	sbr.rel .LBB2_6-.Ltmp4, $2  }
0x2a: {  	_ =	sdelay $0x2  }
0x2b: {  	[tilespmem:s19+$0x12100] =	vst v3  }
.LBB2_12:
0x2c: {  	s17 =	sadd.s32 $0x1, s17  }
0x2d: {  	p0 =	sne.s32 s17, $0x14  }
.Ltmp5:
0x2e: {  	_ = 	snop;
	(pc) =	sbr.rel @!p0 .LBB2_13-.Ltmp5, $1  }
0x2f: {  	_ =	sdelay $0x3  }
.LBB2_6:
0x30: {  	s19 =	smul.u32 $0x7D0, s17;
	_ =	sdelay $0x1  }
0x31: {  	s18 =	simm.s32 $0x0;
	s20 =	sadd.s32 s5, s19  }
0x32: {  	[tilespmem:s8], [sflag:$0x2] =	stream.linear.gather [hbm4b:s20+s18], $0x3E80, $0x38;
	[tilespmem:$0x1A700] =	vst v63  }
0x33: {  	_ =	swait.ge [sflag:s9], $0x3E80  }
0x34: {  	[sflag:s9] =	ssyncset.done $0x0  }
0x35: {  	s19 =	sadd.s32 s2, s19;
	[sflag:s9] =	ssyncadd.s32 $0xFFFFC180  }
0x36: {  	[tilespmem:s10], [sflag:$0x2] =	stream.linear.gather [hbm4b:s19+s18], $0x3E80, $0x38;
	[tilespmem:$0x1A700] =	vst v63  }
0x37: {  	_ =	swait.ge [sflag:s9], $0x3E80  }
0x38: {  	[sflag:s9] =	ssyncset.done $0x0  }
0x39: {  	s20 =	simm.s32 $0x0;
	[sflag:s9] =	ssyncadd.s32 $0xFFFFC180  }
0x3a: {  	v6 =	vld [tilespmem:s20+$0xE280];
	_ =	sdelay $0x4  }
0x3b: {  	vm0 =	vge.s32 v6, v0;
	vm1 =	vlt.s32 v6, v1  }
0x3c: {  	vm0 =	vmand vm0, vm1  }
0x3d: {  	v7 =	vsel vm0, $0x1, v3  }
0x3e: {  	(xrf0) =	vadd.scan.msk.s32 $0xffff, v7;
	_ =	sdelay $0x4  }
0x3f: {  	s21 =	simm.s32 $0x80;
	s19 =	simm.s32 $0x40;
	v7 =	vsel vm0, $0xFFFFFFFF, v3  }
.LBB2_7:
0x40: {  	p0 =	sne.s32 s21, $0xF9C0;
	v7 =	vadd.s32 s18, v7;
	v8, _, _ =	vpop (xrf0)  }
0x41: {  	v7 =	vadd.s32 v8, v7;
	(v2sf) =	vpush v8, $0xF  }
0x42: {  	v8 =	vld [tilespmem:s20+$0xA400];
	v7 =	vsel vm0, v7, v4;
	_ =	sdelay $0x4  }
0x43: {  	v6 =	vsub.s32 v6, v0;
	[tilespmem:v7+s11+$0x0] =	vst.idx.msk $0xffff, v8  }
0x44: {  	s20 =	sshra.s32 s19, $0x2;
	s19 =	smov.u32 s21;
	[tilespmem:v7+s12+$0x0] =	vst.idx.msk $0xffff, v6  }
0x45: {  	v6 =	vld [tilespmem:s20+$0xE280];
	_ =	sdelay $0x4  }
0x46: {  	vm0 =	vge.s32 v6, v0;
	vm1 =	vlt.s32 v6, v1  }
0x47: {  	vm0 =	vmand vm0, vm1  }
0x48: {  	v7 =	vsel vm0, $0x1, v3;
	s22 =	spop (v2sf)  }
0x49: {  	(xrf0) =	vadd.scan.msk.s32 $0xffff, v7;
	s18 =	sadd.s32 s18, s22  }
.Ltmp6:
0x4a: {  	(pc) =	sbr.rel @p0 .LBB2_7-.Ltmp6, $2  }
0x4b: {  	_ =	sdelay $0x2  }
0x4c: {  	s21 =	sadd.s32 $0x40, s21;
	v7 =	vsel vm0, $0xFFFFFFFF, v3  }
0x4d: {  	v7 =	vadd.s32 s18, v7;
	v8, _, _ =	vpop (xrf0)  }
0x4e: {  	v7 =	vadd.s32 v8, v7  }
0x4f: {  	v9 =	vld [tilespmem:s20+$0xA400];
	v7 =	vsel vm0, v7, v4;
	_ =	sdelay $0x4  }
0x50: {  	v6 =	vsub.s32 v6, v0;
	[tilespmem:v7+s11+$0x0] =	vst.idx.msk $0xffff, v9  }
0x51: {  	s19 =	sshra.s32 s19, $0x2;
	[tilespmem:v7+s12+$0x0] =	vst.idx.msk $0xffff, v6  }
0x52: {  	v6 =	vld [tilespmem:s19+$0xE280];
	_ =	sdelay $0x4  }
0x53: {  	vm15 =	vge.s32 v6, v0;
	vm1 =	vlt.s32 v6, v1  }
0x54: {  	vm0 =	vmand vm15, vm1  }
0x55: {  	v7 =	vsel vm0, $0x1, v3  }
0x56: {  	(xrf0) =	vadd.scan.msk.s32 $0xffff, v7;
	_ =	sdelay $0x5  }
0x57: {  	(v2sf) =	vpush v8, $0xF;
	v7, _, _ =	vpop (xrf0)  }
0x58: {  	(v2sf) =	vpush v7, $0xF;
	_ =	sdelay $0xd  }
0x59: {  	s26 =	spop (v2sf)  }
0x5a: {  	s28 =	sadd.s32 s18, s26;
	s29 =	spop (v2sf)  }
0x5b: {  	s20 =	sadd.s32 s28, s29  }
0x5c: {  	s18 =	sadd.s32 $0xF, s20  }
0x5d: {  	v62 =	vsel vm0, $0xFFFFFFFF, v3;
	s30 =	sand.u32 $0xF, s18  }
0x5e: {  	v8 =	vadd.s32 s28, v62;
	s31 =	sshra.s32 s18, $0x1F;
	p1 =	slt.s32 s18, $0x1;
	p0 =	sne.s32 s30, $0x0  }
0x5f: {  	v63 =	vld [tilespmem:s19+$0xA400];
	v7 =	vadd.s32 v7, v8;
	s19 =	sshrl.u32 s31, $0x1C;
	p0 =	por !p1, !p0  }
0x60: {  	v7 =	vsel vm0, v7, v4;
	s18 =	sadd.s32 s19, s18;
	s19 =	simm.s32 $0x1;
	p0 =	por !p0, !p0  }
0x61: {  	s18 =	sshra.s32 s18, $0x4;
	s19 =	simm.s32 @!p0 $0x0  }
0x62: {  	s18 =	ssub.s32 s18, s19  }
0x63: {  	p0 =	slt.s32 s18, $0x1  }
.Ltmp7:
0x64: {  	_ = 	snop;
	(pc) =	sbr.rel @p0 .LBB2_12-.Ltmp7, $4  }
0x65: {  	v6 =	vsub.s32 v6, v0;
	[tilespmem:v7+s11+$0x0] =	vst.idx.msk $0xffff, v63  }
0x66: {  	[tilespmem:v7+s12+$0x0] =	vst.idx.msk $0xffff, v6  }
0x67: {  	[tilespmem:s20+$0x12100] =	vst v3  }
0x68: {  	[tilespmem:s20+$0x16000] =	vst v5;
	s20 =	simm.s32 $0x16000;
	s19 =	simm.s32 $0x0  }
.LBB2_9:
0x69: {  	s21 =	sshll.u32 s19, $0x4  }
0x6a: {  	v6 =	vmov s20;
	s21 =	sadd.s32 $0x12100, s21  }
0x6b: {  	[tilespmem:s15], [sflag:$0x1] =	stream.indirect.gather [hbm4b:s3+s14], $0x80, s21, s14, $0xb8;
	[tilespmem:$0x1A700] =	vst v63  }
0x6c: {  	_ =	swait.ge [sflag:s13], $0x800  }
0x6d: {  	[sflag:s13] =	ssyncset.done $0x0  }
0x6e: {  	s31 =	simm.s32 $0x0;
	[sflag:s13] =	ssyncadd.s32 $0xFFFFF800  }
0x6f: {  	v7 =	vld.idx.msk [tilespmem:v6+s31+$0x0 ss:$0x1], $0xffff;
	_ =	sdelay $0x4  }
0x70: {  	(v2sf) =	vpush v7, $0x0;
	_ =	sdelay $0xe  }
0x71: {  	s22 =	spop (v2sf)  }
0x72: {  	s21 =	simm.s32 $0x19F40;
	s22 =	sshll.u32 s22, $0x9  }
0x73: {  	v7 =	vld [tilespmem:s21+$0xFFFFFFC0];
	s22 =	sshra.s32 s22, $0x2  }
0x74: {  	v8 =	vld [tilespmem:s22+$0x0];
	_ =	sdelay $0x4  }
0x75: {  	v7 =	vmax.f32 v8, v7  }
0x76: {  	[tilespmem:s22+$0x0] =	vst v7;
	v7 =	vld [tilespmem:s22+$0x10]  }
0x77: {  	v8 =	vld [tilespmem:s21+$0xFFFFFFD0];
	_ =	sdelay $0x4  }
0x78: {  	v7 =	vmax.f32 v7, v8  }
0x79: {  	[tilespmem:s22+$0x10] =	vst v7;
	v7 =	vld [tilespmem:s22+$0x20]  }
0x7a: {  	v8 =	vld [tilespmem:s21+$0xFFFFFFE0];
	_ =	sdelay $0x4  }
0x7b: {  	v7 =	vmax.f32 v7, v8  }
0x7c: {  	[tilespmem:s22+$0x20] =	vst v7;
	v7 =	vld [tilespmem:s22+$0x30]  }
0x7d: {  	v8 =	vld [tilespmem:s21+$0xFFFFFFF0];
	_ =	sdelay $0x4  }
0x7e: {  	v7 =	vmax.f32 v7, v8  }
0x7f: {  	[tilespmem:s22+$0x30] =	vst v7;
	v7 =	vld [tilespmem:s22+$0x40]  }
0x80: {  	v8 =	vld [tilespmem:s21+$0x0];
	_ =	sdelay $0x4  }
0x81: {  	v7 =	vmax.f32 v7, v8  }
0x82: {  	[tilespmem:s22+$0x40] =	vst v7;
	v7 =	vld [tilespmem:s22+$0x50]  }
0x83: {  	v8 =	vld [tilespmem:s21+$0x10];
	_ =	sdelay $0x4  }
0x84: {  	v7 =	vmax.f32 v7, v8  }
0x85: {  	[tilespmem:s22+$0x50] =	vst v7;
	v7 =	vld [tilespmem:s22+$0x60]  }
0x86: {  	v8 =	vld [tilespmem:s21+$0x20];
	_ =	sdelay $0x4  }
0x87: {  	v7 =	vmax.f32 v7, v8  }
0x88: {  	[tilespmem:s22+$0x60] =	vst v7;
	v7 =	vld [tilespmem:s22+$0x70]  }
0x89: {  	v8 =	vld [tilespmem:s21+$0x30];
	_ =	sdelay $0x4  }
0x8a: {  	s23 =	simm.s32 $0x4;
	s25 =	simm.s32 $0x8;
	v7 =	vmax.f32 v7, v8  }
.LBB2_10:
0x8b: {  	s26 =	sshra.s32 s23, $0x2  }
0x8c: {  	[tilespmem:s22+$0x70] =	vst v7;
	s21 =	sadd.s32 $0x80, s21;
	s23 =	smov.u32 s25;
	s24 =	sadd.s32 $0x4, s25  }
0x8d: {  	p0 =	sne.s32 s25, $0x3C;
	v7 =	vld.idx.msk [tilespmem:v6+s26+$0x0 ss:$0x1], $0xffff;
	_ =	sdelay $0x5  }
0x8e: {  	(v2sf) =	vpush v7, $0x0;
	_ =	sdelay $0xe  }
0x8f: {  	s22 =	spop (v2sf)  }
0x90: {  	s22 =	sshll.u32 s22, $0x9  }
0x91: {  	s22 =	sshra.s32 s22, $0x2;
	v7 =	vld [tilespmem:s21+$0xFFFFFFC0]  }
0x92: {  	v8 =	vld [tilespmem:s22+$0x0];
	_ =	sdelay $0x4  }
0x93: {  	v7 =	vmax.f32 v8, v7  }
0x94: {  	[tilespmem:s22+$0x0] =	vst v7;
	v7 =	vld [tilespmem:s22+$0x10]  }
0x95: {  	v8 =	vld [tilespmem:s21+$0xFFFFFFD0];
	_ =	sdelay $0x4  }
0x96: {  	v7 =	vmax.f32 v7, v8  }
0x97: {  	[tilespmem:s22+$0x10] =	vst v7;
	v7 =	vld [tilespmem:s22+$0x20]  }
0x98: {  	v8 =	vld [tilespmem:s21+$0xFFFFFFE0];
	_ =	sdelay $0x4  }
0x99: {  	v7 =	vmax.f32 v7, v8  }
0x9a: {  	[tilespmem:s22+$0x20] =	vst v7;
	v7 =	vld [tilespmem:s22+$0x30]  }
0x9b: {  	v8 =	vld [tilespmem:s21+$0xFFFFFFF0];
	_ =	sdelay $0x4  }
0x9c: {  	v7 =	vmax.f32 v7, v8  }
0x9d: {  	[tilespmem:s22+$0x30] =	vst v7;
	v7 =	vld [tilespmem:s22+$0x40]  }
0x9e: {  	v8 =	vld [tilespmem:s21+$0x0];
	_ =	sdelay $0x4  }
0x9f: {  	v7 =	vmax.f32 v7, v8  }
0xa0: {  	[tilespmem:s22+$0x40] =	vst v7;
	v7 =	vld [tilespmem:s22+$0x50]  }
0xa1: {  	v8 =	vld [tilespmem:s21+$0x10];
	_ =	sdelay $0x4  }
0xa2: {  	v7 =	vmax.f32 v7, v8  }
0xa3: {  	[tilespmem:s22+$0x50] =	vst v7;
	v7 =	vld [tilespmem:s22+$0x60]  }
0xa4: {  	v8 =	vld [tilespmem:s21+$0x20];
	_ =	sdelay $0x4  }
0xa5: {  	v7 =	vmax.f32 v7, v8  }
0xa6: {  	[tilespmem:s22+$0x60] =	vst v7;
	v7 =	vld [tilespmem:s22+$0x70]  }
0xa7: {  	v8 =	vld [tilespmem:s21+$0x30]  }
.Ltmp8:
0xa8: {  	(pc) =	sbr.rel @p0 .LBB2_10-.Ltmp8, $2  }
0xa9: {  	_ =	sdelay $0x2  }
0xaa: {  	s25 =	smov.u32 s24;
	v7 =	vmax.f32 v7, v8  }
0xab: {  	_ =	sdelay $0x2  }
0xac: {  	s23 =	sshra.s32 s23, $0x2;
	[tilespmem:s22+$0x70] =	vst v7  }
0xad: {  	v6 =	vld.idx.msk [tilespmem:v6+s23+$0x0 ss:$0x1], $0xffff;
	_ =	sdelay $0x4  }
0xae: {  	(v2sf) =	vpush v6, $0x0;
	_ =	sdelay $0xe  }
0xaf: {  	s31 =	spop (v2sf)  }
0xb0: {  	s21 =	sadd.s32 $0x80, s21;
	s22 =	sshll.u32 s31, $0x9  }
0xb1: {  	v6 =	vld [tilespmem:s21+$0xFFFFFFC0];
	s22 =	sshra.s32 s22, $0x2  }
0xb2: {  	v7 =	vld [tilespmem:s22+$0x0];
	_ =	sdelay $0x4  }
0xb3: {  	v6 =	vmax.f32 v7, v6  }
0xb4: {  	[tilespmem:s22+$0x0] =	vst v6;
	v6 =	vld [tilespmem:s22+$0x10]  }
0xb5: {  	v7 =	vld [tilespmem:s21+$0xFFFFFFD0];
	_ =	sdelay $0x4  }
0xb6: {  	v6 =	vmax.f32 v6, v7  }
0xb7: {  	[tilespmem:s22+$0x10] =	vst v6;
	v6 =	vld [tilespmem:s22+$0x20]  }
0xb8: {  	v7 =	vld [tilespmem:s21+$0xFFFFFFE0];
	_ =	sdelay $0x4  }
0xb9: {  	v6 =	vmax.f32 v6, v7  }
0xba: {  	[tilespmem:s22+$0x20] =	vst v6;
	v6 =	vld [tilespmem:s22+$0x30]  }
0xbb: {  	v7 =	vld [tilespmem:s21+$0xFFFFFFF0];
	_ =	sdelay $0x4  }
0xbc: {  	v6 =	vmax.f32 v6, v7  }
0xbd: {  	[tilespmem:s22+$0x30] =	vst v6;
	v6 =	vld [tilespmem:s22+$0x40]  }
0xbe: {  	v7 =	vld [tilespmem:s21+$0x0];
	_ =	sdelay $0x4  }
0xbf: {  	v6 =	vmax.f32 v6, v7  }
0xc0: {  	[tilespmem:s22+$0x40] =	vst v6;
	v6 =	vld [tilespmem:s22+$0x50]  }
0xc1: {  	v7 =	vld [tilespmem:s21+$0x10];
	_ =	sdelay $0x4  }
0xc2: {  	v6 =	vmax.f32 v6, v7  }
0xc3: {  	[tilespmem:s22+$0x50] =	vst v6;
	v6 =	vld [tilespmem:s22+$0x60]  }
0xc4: {  	v7 =	vld [tilespmem:s21+$0x20];
	_ =	sdelay $0x4  }
0xc5: {  	v6 =	vmax.f32 v6, v7  }
0xc6: {  	[tilespmem:s22+$0x60] =	vst v6;
	v6 =	vld [tilespmem:s22+$0x70]  }
0xc7: {  	s19 =	sadd.s32 $0x1, s19;
	v7 =	vld [tilespmem:s21+$0x30]  }
0xc8: {  	p0 =	sne.s32 s19, s18  }
.Ltmp9:
0xc9: {  	_ = 	snop;
	(pc) =	sbr.rel @p0 .LBB2_9-.Ltmp9, $4  }
.Ltmp10:
0xca: {  	_ = 	snop;
	(pc) =	sbr.rel @!p0 .LBB2_12-.Ltmp10, $4  }
0xcb: {  	_ = 	snop  }
0xcc: {  	v6 =	vmax.f32 v6, v7  }
0xcd: {  	s20 =	sadd.s32 $0x10, s20;
	[tilespmem:s22+$0x70] =	vst v6  }
0xce: {  	_ = 	snop  }
.LBB2_14:
0xcf: {  	_ =	sfence.sel $0x180000  }
0xd0: {  	[bflag:$0x0] =	sbarrier.arrive $0xFFFF  }
0xd1: {  	p0 =	sne.s32 s0, $0x0;
	_ =	strace $0x90000047  }
0xd2: {  	s0 =	sadd.s32 @!p0 $0x100000, s1;
	[bflag:$0x2] =	sbarrier.arrive $0xFFFF  }
0xd3: {  	[sflag:s0] =	ssyncadd.tile.s32 @!p0 $0x1;
	_ =	shalt  }
.Lfunc_end2:
_tile_overlayer_lowered:
.L_overlay_start_2:
0xd4: {  	(tag) =	ssettag $0x2  }
0xd5: {  	s0 =	rddreg [dreg:$0x0];
	s2 =	stileid.u32  }
0xd6: {  	s1 =	rddreg [dreg:$0x1];
	p0 =	sne.s32 s2, $0x0  }
0xd7: {  	s3 =	rddreg [dreg:$0x2];
	[bflag:$0x3] =	sbarrier.arrive $0xFFFF;
	s2 =	simm.s32 @!p0 $0x1C02  }
0xd8: {  	[timem:s3], [sflag:s2] =	dma.local @!p0 [hbm:s0], s1  }
0xd9: {  	s0 =	simm.s32 @!p0 $0x2  }
0xda: {  	_ =	swait.ge @!p0 [sflag:s0], s1  }
0xdb: {  	s1 =	ssub.s32 @!p0 $0x0, s1;
	[sflag:s0] =	ssyncset.done @!p0 $0x0  }
0xdc: {  	[sflag:s0] =	ssyncadd.s32 @!p0 s1  }
0xdd: {  	[bflag:$0x3] =	sbarrier.arrive $0xFFFF  }
0xde: {  	_ =	shalt  }

</sc_bundles>
